<compile_context>
chip_gen: v7x
topology: tpu7x:2x2x1
jax: 0.10.2.dev20260603
libtpu: 0.0.44.dev20260713+nightly
codegen_flags: <defaults>
</compile_context>

<pallas_src>
import dataclasses
import functools

import jax
import jax.numpy as jnp
from jax import lax
from jax.experimental import pallas as pl
from jax.experimental.pallas import tpu as pltpu
from jax.experimental.pallas import tpu_sc as plsc

N = 10000
E = 160000
C = 256
HALF = 128
E_DIM = 16

NT = 16
EPT = E // NT
K = 80
CPT = EPT // K
ROWS_PT = 624
ZROWS = 208
REM_BASE = NT * ROWS_PT
REM = N - REM_BASE


_BE = 8000


def _eproj_body(ea_ref, we2_ref, be2_ref, o_ref):
    e = jnp.dot(ea_ref[...], we2_ref[...], preferred_element_type=jnp.float32)
    e = (e + be2_ref[...]).astype(jnp.bfloat16).astype(jnp.float32)
    ei = jax.lax.bitcast_convert_type(e, jnp.int32)
    for h in range(2):
        pieces = []
        for side in range(2):
            seg = ei[:, side * C + h * HALF: side * C + (h + 1) * HALF]
            pieces.append(jnp.bitwise_or(
                jax.lax.shift_right_logical(seg[:, : HALF // 2], 16),
                jnp.bitwise_and(seg[:, HALF // 2:], jnp.int32(-65536))))
        o_ref[h] = jnp.concatenate(pieces, axis=1)


_eproj = pl.pallas_call(
    _eproj_body,
    grid=(E // _BE,),
    in_specs=[
        pl.BlockSpec((_BE // 2, 2 * E_DIM), lambda i: (i, 0)),
        pl.BlockSpec((2 * E_DIM, 2 * C), lambda i: (0, 0)),
        pl.BlockSpec((1, 2 * C), lambda i: (0, 0)),
    ],
    out_specs=pl.BlockSpec((2, _BE // 2, HALF), lambda i: (0, i, 0)),
    out_shape=jax.ShapeDtypeStruct((2, E // 2, HALF), jnp.int32),
)

_BX = 2000


def _xsplit_body(x_ref, o_ref):
    o_ref[0] = x_ref[:, :HALF]
    o_ref[1] = x_ref[:, HALF:]


_xsplit = pl.pallas_call(
    _xsplit_body,
    grid=(N // _BX,),
    in_specs=[pl.BlockSpec((_BX, C), lambda i: (i, 0))],
    out_specs=pl.BlockSpec((2, _BX, HALF), lambda i: (0, i, 0)),
    out_shape=jax.ShapeDtypeStruct((2, N, HALF), jnp.float32),
)


_sc_mesh = plsc.VectorSubcoreMesh(core_axis_name="c", subcore_axis_name="s")

_sc_params = pltpu.CompilerParams()
if "needs_layout_passes" in pltpu.CompilerParams.__dataclass_fields__:
    _sc_params = dataclasses.replace(_sc_params, needs_layout_passes=False)


NBUF = 3
NRING = 8
ECH = K // 2


@functools.partial(
    pl.kernel,
    out_type=jax.ShapeDtypeStruct((2, N, HALF), jnp.float32),
    mesh=_sc_mesh,
    compiler_params=_sc_params,
    scratch_types=[
        pltpu.VMEM_SHARED((N, HALF), jnp.float32),
        pltpu.VMEM((NRING, K), jnp.int32),
        pltpu.VMEM((NRING, K), jnp.int32),
        pltpu.VMEM((NBUF, K, HALF), jnp.float32),
        pltpu.VMEM((NBUF, ECH, HALF), jnp.int32),
        pltpu.SemaphoreType.DMA((NBUF,)),
        pltpu.SemaphoreType.DMA((NBUF,)),
        pltpu.SemaphoreType.DMA((NBUF,)),
        pltpu.SemaphoreType.DMA((NRING,)),
    ],
)
def _sc_msg(x_hbm, e_hbm, src_hbm, dst_hbm, out_hbm, acc, sring, dring, mbuf,
            ebuf, gsem, esem, ssem, isem):
    c = lax.axis_index("c")
    s = lax.axis_index("s")
    zero = jnp.zeros((16,), jnp.float32)
    _HIMASK = jnp.int32(-65536)
    base_e = s * EPT

    @pl.loop(0, K)
    def _zrow(r):
        for j in range(0, HALF, 16):
            mbuf[0, r, pl.ds(j, 16)] = zero

    @pl.loop(0, ROWS_PT // K)
    def _zdma(j):
        pltpu.sync_copy(mbuf.at[0], acc.at[pl.ds(s * ROWS_PT + j * K, K)])

    _zrem = ROWS_PT - (ROWS_PT // K) * K
    if _zrem:
        pltpu.sync_copy(mbuf.at[0].at[pl.ds(0, _zrem)],
                        acc.at[pl.ds(s * ROWS_PT + ROWS_PT - _zrem, _zrem)])

    @pl.when(s == NT - 1)
    def _ztail():
        pltpu.sync_copy(mbuf.at[0].at[pl.ds(0, REM)], acc.at[pl.ds(REM_BASE, REM)])

    plsc.subcore_barrier()

    def issue_idx(i):
        r = lax.rem(i, NRING)
        row0 = base_e + i * K
        pltpu.async_copy(src_hbm.at[pl.ds(row0, K)], sring.at[r], isem.at[r])
        pltpu.async_copy(dst_hbm.at[pl.ds(row0, K)], dring.at[r], isem.at[r])

    def wait_idx(i):
        r = lax.rem(i, NRING)
        row0 = base_e + i * K
        pltpu.make_async_copy(src_hbm.at[pl.ds(row0, K)], sring.at[r],
                              isem.at[r]).wait()
        pltpu.make_async_copy(dst_hbm.at[pl.ds(row0, K)], dring.at[r],
                              isem.at[r]).wait()

    def issue_ge(i):
        b = lax.rem(i, NBUF)
        r = lax.rem(i, NRING)
        erow0 = pl.multiple_of((base_e + i * K) // 2, 8)
        pltpu.async_copy(x_hbm.at[c].at[sring.at[r]], mbuf.at[b], gsem.at[b])
        pltpu.async_copy(e_hbm.at[c].at[pl.ds(erow0, ECH)], ebuf.at[b],
                         esem.at[b])

    def wait_ge(i):
        b = lax.rem(i, NBUF)
        r = lax.rem(i, NRING)
        erow0 = pl.multiple_of((base_e + i * K) // 2, 8)
        pltpu.make_async_copy(x_hbm.at[c].at[sring.at[r]], mbuf.at[b],
                              gsem.at[b]).wait()
        pltpu.make_async_copy(e_hbm.at[c].at[pl.ds(erow0, ECH)], ebuf.at[b],
                              esem.at[b]).wait()

    def issue_scatter(i):
        b = lax.rem(i, NBUF)
        r = lax.rem(i, NRING)
        pltpu.async_copy(mbuf.at[b], acc.at[dring.at[r]], ssem.at[b], add=True)

    def wait_scatter(i):
        b = lax.rem(i, NBUF)
        r = lax.rem(i, NRING)
        pltpu.make_async_copy(mbuf.at[b], acc.at[dring.at[r]],
                              ssem.at[b]).wait()

    def compute(i):
        b = lax.rem(i, NBUF)

        @plsc.parallel_loop(0, ECH, unroll=4)
        def _erow(er):
            for side in range(2):
                r = 2 * er + side
                for j in range(0, HALF // 2, 16):
                    w = ebuf[b, er, pl.ds(side * (HALF // 2) + j, 16)]
                    ea = plsc.bitcast(jnp.left_shift(w, 16), jnp.float32)
                    eb = plsc.bitcast(jnp.bitwise_and(w, _HIMASK), jnp.float32)
                    v0 = mbuf[b, r, pl.ds(j, 16)] + ea
                    v1 = mbuf[b, r, pl.ds(HALF // 2 + j, 16)] + eb
                    mbuf[b, r, pl.ds(j, 16)] = jnp.maximum(v0, zero)
                    mbuf[b, r, pl.ds(HALF // 2 + j, 16)] = jnp.maximum(v1, zero)

    for i in range(3):
        issue_idx(i)

    @pl.loop(0, CPT + 2)
    def _step(t):
        @pl.when(t >= 2)
        def _s2():
            i = t - 2
            wait_ge(i)
            compute(i)
            issue_scatter(i)

        @pl.when(t < CPT)
        def _s0():
            wait_idx(t)

            @pl.when(t >= NBUF)
            def _():
                wait_scatter(t - NBUF)

            issue_ge(t)

        @pl.when(t + 3 < CPT)
        def _si():
            issue_idx(t + 3)

    for i in range(CPT - NBUF, CPT):
        wait_scatter(i)

    plsc.subcore_barrier()

    @pl.loop(0, ROWS_PT // ZROWS)
    def _drain(j):
        r0 = s * ROWS_PT + j * ZROWS
        pltpu.sync_copy(acc.at[pl.ds(r0, ZROWS)], out_hbm.at[c].at[pl.ds(r0, ZROWS)])

    @pl.when(s == NT - 1)
    def _dtail():
        pltpu.sync_copy(acc.at[pl.ds(REM_BASE, REM)],
                        out_hbm.at[c].at[pl.ds(REM_BASE, REM)])



_BN = 1000


def _mlp_body(x_ref, agg_ref, w1_ref, b1_ref, w2_ref, b2_ref, o_ref):
    h = jnp.concatenate([agg_ref[0], agg_ref[1]], axis=-1) + x_ref[...]
    t = jnp.dot(h, w1_ref[...], preferred_element_type=jnp.float32)
    t = jnp.maximum(t + b1_ref[...], 0.0)
    o = jnp.dot(t, w2_ref[...], preferred_element_type=jnp.float32)
    o_ref[...] = o + b2_ref[...]


_mlp = pl.pallas_call(
    _mlp_body,
    grid=(N // _BN,),
    in_specs=[
        pl.BlockSpec((_BN, C), lambda i: (i, 0)),
        pl.BlockSpec((2, _BN, HALF), lambda i: (0, i, 0)),
        pl.BlockSpec((C, 2 * C), lambda i: (0, 0)),
        pl.BlockSpec((1, 2 * C), lambda i: (0, 0)),
        pl.BlockSpec((2 * C, C), lambda i: (0, 0)),
        pl.BlockSpec((1, C), lambda i: (0, 0)),
    ],
    out_specs=pl.BlockSpec((_BN, C), lambda i: (i, 0)),
    out_shape=jax.ShapeDtypeStruct((N, C), jnp.float32),
)



def kernel(node_feats, edge_index, edge_attr, We, be, W1, b1, W2, b2):
    src = edge_index[0]
    dst = edge_index[1]
    x_stacked = _xsplit(node_feats)
    We2 = (jnp.zeros((2 * E_DIM, 2 * C), We.dtype)
           .at[:E_DIM, :C].set(We).at[E_DIM:, C:].set(We))
    be2 = jnp.concatenate([be, be]).reshape(1, 2 * C)
    e_stacked = _eproj(edge_attr.reshape(E // 2, 2 * E_DIM), We2, be2)
    agg_stacked = _sc_msg(x_stacked, e_stacked, src, dst)
    return _mlp(node_feats, agg_stacked, W1, b1.reshape(1, 2 * C),
                W2, b2.reshape(1, C))

# --- scband reference (transcript-rebuilt; emitter-appended) ---
"""Pipeline reference for scband-gineconv-55731495632940 (READ-ONLY COPY).

The authoritative reference and input builder live on the scoring server;
editing this copy changes nothing except your own understanding.
"""

import jax, jax.numpy as jnp
import numpy as np

N = 10000
E = 160000
C_IN = 256
C_OUT = 256
E_DIM = 16


def setup_inputs(seed: int = 0) -> dict:
    key = jax.random.key(seed)
    ks = jax.random.split(key, 9)
    node_feats = jax.random.normal(ks[0], (N, C_IN), dtype=jnp.float32)
    edge_index = jax.random.randint(ks[1], (2, E), 0, N, dtype=jnp.int32)
    edge_attr = jax.random.normal(ks[2], (E, E_DIM), dtype=jnp.float32)
    # edge projection Linear(edge_dim, c_in)
    We = jax.random.normal(ks[3], (E_DIM, C_IN), dtype=jnp.float32) * (1.0 / np.sqrt(E_DIM))
    be = jax.random.normal(ks[4], (C_IN,), dtype=jnp.float32) * 0.01
    # mlp: Linear(c_in, 2*c_out) -> ReLU -> Linear(2*c_out, c_out)
    W1 = jax.random.normal(ks[5], (C_IN, 2 * C_OUT), dtype=jnp.float32) * (1.0 / np.sqrt(C_IN))
    b1 = jax.random.normal(ks[6], (2 * C_OUT,), dtype=jnp.float32) * 0.01
    W2 = jax.random.normal(ks[7], (2 * C_OUT, C_OUT), dtype=jnp.float32) * (1.0 / np.sqrt(2 * C_OUT))
    b2 = jax.random.normal(ks[8], (C_OUT,), dtype=jnp.float32) * 0.01
    return {
        'node_feats': node_feats,
        'edge_index': edge_index,
        'edge_attr': edge_attr,
        'We': We, 'be': be,
        'W1': W1, 'b1': b1,
        'W2': W2, 'b2': b2,
    }


def reference(node_feats, edge_index, edge_attr, We, be, W1, b1, W2, b2):
    # edge_attr projection: nn.Linear(edge_dim, c_in)
    e = edge_attr @ We + be
    src = edge_index[0]
    dst = edge_index[1]
    # GINEConv message: relu(x_j + edge_attr), sum aggregation at dst
    m = jax.nn.relu(jnp.take(node_feats, src, axis=0) + e)
    agg = jax.ops.segment_sum(m, dst, num_segments=node_feats.shape[0])
    # out = mlp((1 + eps) * x + agg), eps = 0
    h = agg + node_feats
    out = jax.nn.relu(h @ W1 + b1) @ W2 + b2
    return out

if __name__ == "__main__":
    import jax
    _d = setup_inputs()
    print(jax.jit(kernel)(*tuple(_d.values())))

</pallas_src>

<mosaic_0001>
#map = affine_map<(d0, d1) -> (0, 0, 0)>
#map1 = affine_map<(d0, d1) -> (0)>
module attributes {stable_mosaic.version = 14 : i64} {
  func.func @_sc_msg(%arg0: i32, %arg1: i32, %arg2: memref<2x10000x128xf32, #tpu.memory_space<hbm>>, %arg3: memref<2x80000x128xi32, #tpu.memory_space<hbm>>, %arg4: memref<160000xi32, #tpu.memory_space<hbm>>, %arg5: memref<160000xi32, #tpu.memory_space<hbm>>, %arg6: memref<2x10000x128xf32, #tpu.memory_space<hbm>>, %arg7: memref<10000x128xf32, #tpu.memory_space<vmem_shared>>, %arg8: memref<8x80xi32, #tpu.memory_space<vmem>>, %arg9: memref<8x80xi32, #tpu.memory_space<vmem>>, %arg10: memref<3x80x128xf32, #tpu.memory_space<vmem>>, %arg11: memref<3x40x128xi32, #tpu.memory_space<vmem>>, %arg12: memref<3x!tpu.dma_semaphore, #tpu.memory_space<semaphore_mem>>, %arg13: memref<3x!tpu.dma_semaphore, #tpu.memory_space<semaphore_mem>>, %arg14: memref<3x!tpu.dma_semaphore, #tpu.memory_space<semaphore_mem>>, %arg15: memref<8x!tpu.dma_semaphore, #tpu.memory_space<semaphore_mem>>) attributes {dimension_semantics = [#tpu.dimension_semantics<core_parallel>, #tpu.dimension_semantics<subcore_parallel>], iteration_bounds = array<i64: 2, 16>, scalar_prefetch = 0 : i64, scratch_operands = 9 : i64, tpu.core_type = #tpu.core_type<sc_vector_subcore>, window_params = [{transform_indices = #map}, {transform_indices = #map}, {transform_indices = #map1}, {transform_indices = #map1}, {transform_indices = #map}]} {
    %broadcast_in_dim3A = arith.constant 0.000000e+00 : f32
    %broadcast_in_dim3A_0 = vector.broadcast %broadcast_in_dim3A : f32 to vector<16xf32>
    %mul3A = arith.constant 10000 : i32
    %mul3A_1 = arith.muli %arg1, %mul3A : i32
    %scan3A = arith.constant 0 : i32
    %scan3A_2 = arith.constant 80 : i32
    %scan3A_3 = arith.addi %scan3A, %scan3A_2 : i32
    %scan3A_4 = arith.constant 1 : i32
    scf.for %scan3A_160 = %scan3A to %scan3A_3 step %scan3A_4  : i32 {
      %mul3A_161 = arith.constant 1 : i32
      %mul3A_162 = arith.muli %scan3A_160, %mul3A_161 : i32
      %add3A_163 = arith.constant 0 : i32
      %add3A_164 = arith.addi %add3A_163, %mul3A_162 : i32
      %swap3A = arith.constant 0 : i32
      %swap3A_165 = arith.index_cast %swap3A : i32 to index
      %swap3A_166 = arith.index_cast %add3A_164 : i32 to index
      %swap3A_167 = arith.constant 0 : index
      %swap3A_168 = tpu.vector_load %arg10[%swap3A_165, %swap3A_166, %swap3A_167] {strides = array<i32>} : memref<3x80x128xf32, #tpu.memory_space<vmem>>, vector<16xf32>,
      tpu.vector_store %arg10[%swap3A_165, %swap3A_166, %swap3A_167], %broadcast_in_dim3A_0 {strides = array<i32>} : memref<3x80x128xf32, #tpu.memory_space<vmem>>, vector<16xf32>,
      %swap3A_169 = arith.constant 0 : i32
      %swap3A_170 = arith.index_cast %swap3A_169 : i32 to index
      %swap3A_171 = arith.index_cast %add3A_164 : i32 to index
      %swap3A_172 = arith.constant 16 : index
      %swap3A_173 = tpu.vector_load %arg10[%swap3A_170, %swap3A_171, %swap3A_172] {strides = array<i32>} : memref<3x80x128xf32, #tpu.memory_space<vmem>>, vector<16xf32>,
      tpu.vector_store %arg10[%swap3A_170, %swap3A_171, %swap3A_172], %broadcast_in_dim3A_0 {strides = array<i32>} : memref<3x80x128xf32, #tpu.memory_space<vmem>>, vector<16xf32>,
      %swap3A_174 = arith.constant 0 : i32
      %swap3A_175 = arith.index_cast %swap3A_174 : i32 to index
      %swap3A_176 = arith.index_cast %add3A_164 : i32 to index
      %swap3A_177 = arith.constant 32 : index
      %swap3A_178 = tpu.vector_load %arg10[%swap3A_175, %swap3A_176, %swap3A_177] {strides = array<i32>} : memref<3x80x128xf32, #tpu.memory_space<vmem>>, vector<16xf32>,
      tpu.vector_store %arg10[%swap3A_175, %swap3A_176, %swap3A_177], %broadcast_in_dim3A_0 {strides = array<i32>} : memref<3x80x128xf32, #tpu.memory_space<vmem>>, vector<16xf32>,
      %swap3A_179 = arith.constant 0 : i32
      %swap3A_180 = arith.index_cast %swap3A_179 : i32 to index
      %swap3A_181 = arith.index_cast %add3A_164 : i32 to index
      %swap3A_182 = arith.constant 48 : index
      %swap3A_183 = tpu.vector_load %arg10[%swap3A_180, %swap3A_181, %swap3A_182] {strides = array<i32>} : memref<3x80x128xf32, #tpu.memory_space<vmem>>, vector<16xf32>,
      tpu.vector_store %arg10[%swap3A_180, %swap3A_181, %swap3A_182], %broadcast_in_dim3A_0 {strides = array<i32>} : memref<3x80x128xf32, #tpu.memory_space<vmem>>, vector<16xf32>,
      %swap3A_184 = arith.constant 0 : i32
      %swap3A_185 = arith.index_cast %swap3A_184 : i32 to index
      %swap3A_186 = arith.index_cast %add3A_164 : i32 to index
      %swap3A_187 = arith.constant 64 : index
      %swap3A_188 = tpu.vector_load %arg10[%swap3A_185, %swap3A_186, %swap3A_187] {strides = array<i32>} : memref<3x80x128xf32, #tpu.memory_space<vmem>>, vector<16xf32>,
      tpu.vector_store %arg10[%swap3A_185, %swap3A_186, %swap3A_187], %broadcast_in_dim3A_0 {strides = array<i32>} : memref<3x80x128xf32, #tpu.memory_space<vmem>>, vector<16xf32>,
      %swap3A_189 = arith.constant 0 : i32
      %swap3A_190 = arith.index_cast %swap3A_189 : i32 to index
      %swap3A_191 = arith.index_cast %add3A_164 : i32 to index
      %swap3A_192 = arith.constant 80 : index
      %swap3A_193 = tpu.vector_load %arg10[%swap3A_190, %swap3A_191, %swap3A_192] {strides = array<i32>} : memref<3x80x128xf32, #tpu.memory_space<vmem>>, vector<16xf32>,
      tpu.vector_store %arg10[%swap3A_190, %swap3A_191, %swap3A_192], %broadcast_in_dim3A_0 {strides = array<i32>} : memref<3x80x128xf32, #tpu.memory_space<vmem>>, vector<16xf32>,
      %swap3A_194 = arith.constant 0 : i32
      %swap3A_195 = arith.index_cast %swap3A_194 : i32 to index
      %swap3A_196 = arith.index_cast %add3A_164 : i32 to index
      %swap3A_197 = arith.constant 96 : index
      %swap3A_198 = tpu.vector_load %arg10[%swap3A_195, %swap3A_196, %swap3A_197] {strides = array<i32>} : memref<3x80x128xf32, #tpu.memory_space<vmem>>, vector<16xf32>,
      tpu.vector_store %arg10[%swap3A_195, %swap3A_196, %swap3A_197], %broadcast_in_dim3A_0 {strides = array<i32>} : memref<3x80x128xf32, #tpu.memory_space<vmem>>, vector<16xf32>,
      %swap3A_199 = arith.constant 0 : i32
      %swap3A_200 = arith.index_cast %swap3A_199 : i32 to index
      %swap3A_201 = arith.index_cast %add3A_164 : i32 to index
      %swap3A_202 = arith.constant 112 : index
      %swap3A_203 = tpu.vector_load %arg10[%swap3A_200, %swap3A_201, %swap3A_202] {strides = array<i32>} : memref<3x80x128xf32, #tpu.memory_space<vmem>>, vector<16xf32>,
      tpu.vector_store %arg10[%swap3A_200, %swap3A_201, %swap3A_202], %broadcast_in_dim3A_0 {strides = array<i32>} : memref<3x80x128xf32, #tpu.memory_space<vmem>>, vector<16xf32>,
    }
    %scan3A_5 = arith.constant 80 : i32
    %scan3A_6 = arith.constant 0 : i32
    %scan3A_7 = arith.constant 7 : i32
    %scan3A_8 = arith.addi %scan3A_6, %scan3A_7 : i32
    %scan3A_9 = arith.constant 1 : i32
    scf.for %scan3A_160 = %scan3A_6 to %scan3A_8 step %scan3A_9  : i32 {
      %mul3A_161 = arith.constant 1 : i32
      %mul3A_162 = arith.muli %scan3A_160, %mul3A_161 : i32
      %add3A_163 = arith.constant 0 : i32
      %add3A_164 = arith.addi %add3A_163, %mul3A_162 : i32
      %mul3A_165 = arith.constant 624 : i32
      %mul3A_166 = arith.muli %arg1, %mul3A_165 : i32
      %mul3A_167 = arith.constant 80 : i32
      %mul3A_168 = arith.muli %add3A_164, %mul3A_167 : i32
      %add3A_169 = arith.addi %mul3A_166, %mul3A_168 : i32
      %run_scoped3A_170 = arith.constant 0 : i32
      "tpu.region"() ({
        %run_scoped3A_171 = tpu.sem_alloc : memref<!tpu.dma_semaphore, #tpu.memory_space<semaphore_mem>>
        %dma_start3A_172 = arith.constant 0 : i32
        %dma_start3A_173 = arith.constant 0 : i32
        %dma_start3A_174 = tpu.memref_slice %arg10[%run_scoped3A_170, %dma_start3A_172, %dma_start3A_173] : memref<3x80x128xf32, #tpu.memory_space<vmem>> -> memref<1x80x128xf32, #tpu.memory_space<vmem>>
        %dma_start3A_175 = tpu.memref_squeeze %dma_start3A_174 : memref<1x80x128xf32, #tpu.memory_space<vmem>> -> memref<80x128xf32, #tpu.memory_space<vmem>>
        %dma_start3A_176 = arith.constant 0 : i32
        %dma_start3A_177 = tpu.memref_slice %arg7[%add3A_169, %dma_start3A_176] : memref<10000x128xf32, #tpu.memory_space<vmem_shared>> -> memref<80x128xf32, #tpu.memory_space<vmem_shared>>
        %dma_start3A_178 = arith.constant 0 : i32
        %dma_start3A_179 = tpu.memref_slice %arg7[%add3A_169, %dma_start3A_178] : memref<10000x128xf32, #tpu.memory_space<vmem_shared>> -> memref<80x128xf32, #tpu.memory_space<vmem_shared>>
        %dma_start3A_180 = arith.constant 0 : i32
        %dma_start3A_181 = arith.constant 0 : i32
        %dma_start3A_182 = tpu.memref_slice %arg10[%run_scoped3A_170, %dma_start3A_180, %dma_start3A_181] : memref<3x80x128xf32, #tpu.memory_space<vmem>> -> memref<1x80x128xf32, #tpu.memory_space<vmem>>
        %dma_start3A_183 = tpu.memref_squeeze %dma_start3A_182 : memref<1x80x128xf32, #tpu.memory_space<vmem>> -> memref<80x128xf32, #tpu.memory_space<vmem>>
        tpu.enqueue_dma source(%dma_start3A_183 : memref<80x128xf32, #tpu.memory_space<vmem>>) target(%dma_start3A_179 : memref<80x128xf32, #tpu.memory_space<vmem_shared>>) target_semaphore(%run_scoped3A_171 : memref<!tpu.dma_semaphore, #tpu.memory_space<semaphore_mem>>)
        %dma_wait3A_184 = arith.constant 0 : i32
        %dma_wait3A_185 = arith.constant 0 : i32
        %dma_wait3A_186 = tpu.memref_slice %arg10[%run_scoped3A_170, %dma_wait3A_184, %dma_wait3A_185] : memref<3x80x128xf32, #tpu.memory_space<vmem>> -> memref<1x80x128xf32, #tpu.memory_space<vmem>>
        %dma_wait3A_187 = tpu.memref_squeeze %dma_wait3A_186 : memref<1x80x128xf32, #tpu.memory_space<vmem>> -> memref<80x128xf32, #tpu.memory_space<vmem>>
        %dma_wait3A_188 = arith.constant 0 : i32
        %dma_wait3A_189 = tpu.memref_slice %arg7[%add3A_169, %dma_wait3A_188] : memref<10000x128xf32, #tpu.memory_space<vmem_shared>> -> memref<80x128xf32, #tpu.memory_space<vmem_shared>>
        %dma_wait3A_190 = arith.constant 0 : i32
        %dma_wait3A_191 = tpu.memref_slice %arg7[%add3A_169, %dma_wait3A_190] : memref<10000x128xf32, #tpu.memory_space<vmem_shared>> -> memref<80x128xf32, #tpu.memory_space<vmem_shared>>
        %dma_wait3A_192 = arith.constant 0 : i32
        %dma_wait3A_193 = arith.constant 0 : i32
        %dma_wait3A_194 = tpu.memref_slice %arg10[%run_scoped3A_170, %dma_wait3A_192, %dma_wait3A_193] : memref<3x80x128xf32, #tpu.memory_space<vmem>> -> memref<1x80x128xf32, #tpu.memory_space<vmem>>
        %dma_wait3A_195 = tpu.memref_squeeze %dma_wait3A_194 : memref<1x80x128xf32, #tpu.memory_space<vmem>> -> memref<80x128xf32, #tpu.memory_space<vmem>>
        tpu.wait_dma2 semaphore(%run_scoped3A_171 : memref<!tpu.dma_semaphore, #tpu.memory_space<semaphore_mem>>) src(%dma_wait3A_195 : memref<80x128xf32, #tpu.memory_space<vmem>>) dst(%dma_wait3A_191 : memref<80x128xf32, #tpu.memory_space<vmem_shared>>)
        tpu.yield
      }) : () -> ()
    }
    %scan3A_10 = arith.constant 7 : i32
    %mul3A_11 = arith.constant 624 : i32
    %mul3A_12 = arith.muli %arg1, %mul3A_11 : i32
    %add3A = arith.constant 624 : i32
    %add3A_13 = arith.addi %mul3A_12, %add3A : i32
    %sub3A = arith.constant 64 : i32
    %sub3A_14 = arith.subi %add3A_13, %sub3A : i32
    %run_scoped3A = arith.constant 0 : i32
    "tpu.region"() ({
      %run_scoped3A_160 = tpu.sem_alloc : memref<!tpu.dma_semaphore, #tpu.memory_space<semaphore_mem>>
      %dma_start3A_161 = arith.constant 0 : i32
      %dma_start3A_162 = arith.constant 0 : i32
      %dma_start3A_163 = tpu.memref_slice %arg10[%run_scoped3A, %dma_start3A_161, %dma_start3A_162] : memref<3x80x128xf32, #tpu.memory_space<vmem>> -> memref<1x80x128xf32, #tpu.memory_space<vmem>>
      %dma_start3A_164 = tpu.memref_squeeze %dma_start3A_163 : memref<1x80x128xf32, #tpu.memory_space<vmem>> -> memref<80x128xf32, #tpu.memory_space<vmem>>
      %dma_start3A_165 = arith.constant 0 : i32
      %dma_start3A_166 = arith.constant 0 : i32
      %dma_start3A_167 = tpu.memref_slice %dma_start3A_164[%dma_start3A_165, %dma_start3A_166] : memref<80x128xf32, #tpu.memory_space<vmem>> -> memref<64x128xf32, #tpu.memory_space<vmem>>
      %dma_start3A_168 = arith.constant 0 : i32
      %dma_start3A_169 = tpu.memref_slice %arg7[%sub3A_14, %dma_start3A_168] : memref<10000x128xf32, #tpu.memory_space<vmem_shared>> -> memref<64x128xf32, #tpu.memory_space<vmem_shared>>
      %dma_start3A_170 = arith.constant 0 : i32
      %dma_start3A_171 = tpu.memref_slice %arg7[%sub3A_14, %dma_start3A_170] : memref<10000x128xf32, #tpu.memory_space<vmem_shared>> -> memref<64x128xf32, #tpu.memory_space<vmem_shared>>
      %dma_start3A_172 = arith.constant 0 : i32
      %dma_start3A_173 = arith.constant 0 : i32
      %dma_start3A_174 = tpu.memref_slice %arg10[%run_scoped3A, %dma_start3A_172, %dma_start3A_173] : memref<3x80x128xf32, #tpu.memory_space<vmem>> -> memref<1x80x128xf32, #tpu.memory_space<vmem>>
      %dma_start3A_175 = tpu.memref_squeeze %dma_start3A_174 : memref<1x80x128xf32, #tpu.memory_space<vmem>> -> memref<80x128xf32, #tpu.memory_space<vmem>>
      %dma_start3A_176 = arith.constant 0 : i32
      %dma_start3A_177 = arith.constant 0 : i32
      %dma_start3A_178 = tpu.memref_slice %dma_start3A_175[%dma_start3A_176, %dma_start3A_177] : memref<80x128xf32, #tpu.memory_space<vmem>> -> memref<64x128xf32, #tpu.memory_space<vmem>>
      tpu.enqueue_dma source(%dma_start3A_178 : memref<64x128xf32, #tpu.memory_space<vmem>>) target(%dma_start3A_171 : memref<64x128xf32, #tpu.memory_space<vmem_shared>>) target_semaphore(%run_scoped3A_160 : memref<!tpu.dma_semaphore, #tpu.memory_space<semaphore_mem>>)
      %dma_wait3A_179 = arith.constant 0 : i32
      %dma_wait3A_180 = arith.constant 0 : i32
      %dma_wait3A_181 = tpu.memref_slice %arg10[%run_scoped3A, %dma_wait3A_179, %dma_wait3A_180] : memref<3x80x128xf32, #tpu.memory_space<vmem>> -> memref<1x80x128xf32, #tpu.memory_space<vmem>>
      %dma_wait3A_182 = tpu.memref_squeeze %dma_wait3A_181 : memref<1x80x128xf32, #tpu.memory_space<vmem>> -> memref<80x128xf32, #tpu.memory_space<vmem>>
      %dma_wait3A_183 = arith.constant 0 : i32
      %dma_wait3A_184 = arith.constant 0 : i32
      %dma_wait3A_185 = tpu.memref_slice %dma_wait3A_182[%dma_wait3A_183, %dma_wait3A_184] : memref<80x128xf32, #tpu.memory_space<vmem>> -> memref<64x128xf32, #tpu.memory_space<vmem>>
      %dma_wait3A_186 = arith.constant 0 : i32
      %dma_wait3A_187 = tpu.memref_slice %arg7[%sub3A_14, %dma_wait3A_186] : memref<10000x128xf32, #tpu.memory_space<vmem_shared>> -> memref<64x128xf32, #tpu.memory_space<vmem_shared>>
      %dma_wait3A_188 = arith.constant 0 : i32
      %dma_wait3A_189 = tpu.memref_slice %arg7[%sub3A_14, %dma_wait3A_188] : memref<10000x128xf32, #tpu.memory_space<vmem_shared>> -> memref<64x128xf32, #tpu.memory_space<vmem_shared>>
      %dma_wait3A_190 = arith.constant 0 : i32
      %dma_wait3A_191 = arith.constant 0 : i32
      %dma_wait3A_192 = tpu.memref_slice %arg10[%run_scoped3A, %dma_wait3A_190, %dma_wait3A_191] : memref<3x80x128xf32, #tpu.memory_space<vmem>> -> memref<1x80x128xf32, #tpu.memory_space<vmem>>
      %dma_wait3A_193 = tpu.memref_squeeze %dma_wait3A_192 : memref<1x80x128xf32, #tpu.memory_space<vmem>> -> memref<80x128xf32, #tpu.memory_space<vmem>>
      %dma_wait3A_194 = arith.constant 0 : i32
      %dma_wait3A_195 = arith.constant 0 : i32
      %dma_wait3A_196 = tpu.memref_slice %dma_wait3A_193[%dma_wait3A_194, %dma_wait3A_195] : memref<80x128xf32, #tpu.memory_space<vmem>> -> memref<64x128xf32, #tpu.memory_space<vmem>>
      tpu.wait_dma2 semaphore(%run_scoped3A_160 : memref<!tpu.dma_semaphore, #tpu.memory_space<semaphore_mem>>) src(%dma_wait3A_196 : memref<64x128xf32, #tpu.memory_space<vmem>>) dst(%dma_wait3A_189 : memref<64x128xf32, #tpu.memory_space<vmem_shared>>)
      tpu.yield
    }) : () -> ()
    %eq3A = arith.constant 15 : i32
    %eq3A_15 = arith.cmpi eq, %arg1, %eq3A : i32
    %convert_element_type3A = arith.extui %eq3A_15 : i1 to i32
    %cond3A = arith.constant 0 : i32
    %cond3A_16 = arith.cmpi ne, %convert_element_type3A, %cond3A : i32
    scf.if %cond3A_16 {
      %run_scoped3A_160 = arith.constant 0 : i32
      "tpu.region"() ({
        %run_scoped3A_161 = tpu.sem_alloc : memref<!tpu.dma_semaphore, #tpu.memory_space<semaphore_mem>>
        %dma_start3A_162 = arith.constant 0 : i32
        %dma_start3A_163 = arith.constant 0 : i32
        %dma_start3A_164 = tpu.memref_slice %arg10[%run_scoped3A_160, %dma_start3A_162, %dma_start3A_163] : memref<3x80x128xf32, #tpu.memory_space<vmem>> -> memref<1x80x128xf32, #tpu.memory_space<vmem>>
        %dma_start3A_165 = tpu.memref_squeeze %dma_start3A_164 : memref<1x80x128xf32, #tpu.memory_space<vmem>> -> memref<80x128xf32, #tpu.memory_space<vmem>>
        %dma_start3A_166 = arith.constant 0 : i32
        %dma_start3A_167 = arith.constant 0 : i32
        %dma_start3A_168 = tpu.memref_slice %dma_start3A_165[%dma_start3A_166, %dma_start3A_167] : memref<80x128xf32, #tpu.memory_space<vmem>> -> memref<16x128xf32, #tpu.memory_space<vmem>>
        %dma_start3A_169 = arith.constant 9984 : i32
        %dma_start3A_170 = arith.constant 0 : i32
        %dma_start3A_171 = tpu.memref_slice %arg7[%dma_start3A_169, %dma_start3A_170] : memref<10000x128xf32, #tpu.memory_space<vmem_shared>> -> memref<16x128xf32, #tpu.memory_space<vmem_shared>>
        %dma_start3A_172 = arith.constant 9984 : i32
        %dma_start3A_173 = arith.constant 0 : i32
        %dma_start3A_174 = tpu.memref_slice %arg7[%dma_start3A_172, %dma_start3A_173] : memref<10000x128xf32, #tpu.memory_space<vmem_shared>> -> memref<16x128xf32, #tpu.memory_space<vmem_shared>>
        %dma_start3A_175 = arith.constant 0 : i32
        %dma_start3A_176 = arith.constant 0 : i32
        %dma_start3A_177 = tpu.memref_slice %arg10[%run_scoped3A_160, %dma_start3A_175, %dma_start3A_176] : memref<3x80x128xf32, #tpu.memory_space<vmem>> -> memref<1x80x128xf32, #tpu.memory_space<vmem>>
        %dma_start3A_178 = tpu.memref_squeeze %dma_start3A_177 : memref<1x80x128xf32, #tpu.memory_space<vmem>> -> memref<80x128xf32, #tpu.memory_space<vmem>>
        %dma_start3A_179 = arith.constant 0 : i32
        %dma_start3A_180 = arith.constant 0 : i32
        %dma_start3A_181 = tpu.memref_slice %dma_start3A_178[%dma_start3A_179, %dma_start3A_180] : memref<80x128xf32, #tpu.memory_space<vmem>> -> memref<16x128xf32, #tpu.memory_space<vmem>>
        tpu.enqueue_dma source(%dma_start3A_181 : memref<16x128xf32, #tpu.memory_space<vmem>>) target(%dma_start3A_174 : memref<16x128xf32, #tpu.memory_space<vmem_shared>>) target_semaphore(%run_scoped3A_161 : memref<!tpu.dma_semaphore, #tpu.memory_space<semaphore_mem>>)
        %dma_wait3A_182 = arith.constant 0 : i32
        %dma_wait3A_183 = arith.constant 0 : i32
        %dma_wait3A_184 = tpu.memref_slice %arg10[%run_scoped3A_160, %dma_wait3A_182, %dma_wait3A_183] : memref<3x80x128xf32, #tpu.memory_space<vmem>> -> memref<1x80x128xf32, #tpu.memory_space<vmem>>
        %dma_wait3A_185 = tpu.memref_squeeze %dma_wait3A_184 : memref<1x80x128xf32, #tpu.memory_space<vmem>> -> memref<80x128xf32, #tpu.memory_space<vmem>>
        %dma_wait3A_186 = arith.constant 0 : i32
        %dma_wait3A_187 = arith.constant 0 : i32
        %dma_wait3A_188 = tpu.memref_slice %dma_wait3A_185[%dma_wait3A_186, %dma_wait3A_187] : memref<80x128xf32, #tpu.memory_space<vmem>> -> memref<16x128xf32, #tpu.memory_space<vmem>>
        %dma_wait3A_189 = arith.constant 9984 : i32
        %dma_wait3A_190 = arith.constant 0 : i32
        %dma_wait3A_191 = tpu.memref_slice %arg7[%dma_wait3A_189, %dma_wait3A_190] : memref<10000x128xf32, #tpu.memory_space<vmem_shared>> -> memref<16x128xf32, #tpu.memory_space<vmem_shared>>
        %dma_wait3A_192 = arith.constant 9984 : i32
        %dma_wait3A_193 = arith.constant 0 : i32
        %dma_wait3A_194 = tpu.memref_slice %arg7[%dma_wait3A_192, %dma_wait3A_193] : memref<10000x128xf32, #tpu.memory_space<vmem_shared>> -> memref<16x128xf32, #tpu.memory_space<vmem_shared>>
        %dma_wait3A_195 = arith.constant 0 : i32
        %dma_wait3A_196 = arith.constant 0 : i32
        %dma_wait3A_197 = tpu.memref_slice %arg10[%run_scoped3A_160, %dma_wait3A_195, %dma_wait3A_196] : memref<3x80x128xf32, #tpu.memory_space<vmem>> -> memref<1x80x128xf32, #tpu.memory_space<vmem>>
        %dma_wait3A_198 = tpu.memref_squeeze %dma_wait3A_197 : memref<1x80x128xf32, #tpu.memory_space<vmem>> -> memref<80x128xf32, #tpu.memory_space<vmem>>
        %dma_wait3A_199 = arith.constant 0 : i32
        %dma_wait3A_200 = arith.constant 0 : i32
        %dma_wait3A_201 = tpu.memref_slice %dma_wait3A_198[%dma_wait3A_199, %dma_wait3A_200] : memref<80x128xf32, #tpu.memory_space<vmem>> -> memref<16x128xf32, #tpu.memory_space<vmem>>
        tpu.wait_dma2 semaphore(%run_scoped3A_161 : memref<!tpu.dma_semaphore, #tpu.memory_space<semaphore_mem>>) src(%dma_wait3A_201 : memref<16x128xf32, #tpu.memory_space<vmem>>) dst(%dma_wait3A_194 : memref<16x128xf32, #tpu.memory_space<vmem_shared>>)
        tpu.yield
      }) : () -> ()
    } else {
    }
    %barrier3A = arith.constant 0 : index
    tpu.barrier barrier_id(%barrier3A)
    %rem3A = arith.constant 0 : i32
    %rem3A_17 = arith.constant 8 : i32
    %rem3A_18 = arith.remsi %rem3A, %rem3A_17 : i32
    %add3A_19 = arith.constant 0 : i32
    %add3A_20 = arith.addi %mul3A_1, %add3A_19 : i32
    %dma_start3A = arith.constant 0 : i32
    %dma_start3A_21 = tpu.memref_slice %arg8[%rem3A_18, %dma_start3A] : memref<8x80xi32, #tpu.memory_space<vmem>> -> memref<1x80xi32, #tpu.memory_space<vmem>>
    %dma_start3A_22 = tpu.memref_squeeze %dma_start3A_21 : memref<1x80xi32, #tpu.memory_space<vmem>> -> memref<80xi32, #tpu.memory_space<vmem>>
    %dma_start3A_23 = tpu.memref_slice %arg4[%add3A_20] : memref<160000xi32, #tpu.memory_space<hbm>> -> memref<80xi32, #tpu.memory_space<hbm>>
    %dma_start3A_24 = tpu.memref_slice %arg15[%rem3A_18] : memref<8x!tpu.dma_semaphore, #tpu.memory_space<semaphore_mem>> -> memref<1x!tpu.dma_semaphore, #tpu.memory_space<semaphore_mem>>
    %dma_start3A_25 = tpu.memref_squeeze %dma_start3A_24 : memref<1x!tpu.dma_semaphore, #tpu.memory_space<semaphore_mem>> -> memref<!tpu.dma_semaphore, #tpu.memory_space<semaphore_mem>>
    %dma_start3A_26 = arith.constant 0 : i32
    %dma_start3A_27 = tpu.memref_slice %arg8[%rem3A_18, %dma_start3A_26] : memref<8x80xi32, #tpu.memory_space<vmem>> -> memref<1x80xi32, #tpu.memory_space<vmem>>
    %dma_start3A_28 = tpu.memref_squeeze %dma_start3A_27 : memref<1x80xi32, #tpu.memory_space<vmem>> -> memref<80xi32, #tpu.memory_space<vmem>>
    %dma_start3A_29 = tpu.memref_slice %arg4[%add3A_20] : memref<160000xi32, #tpu.memory_space<hbm>> -> memref<80xi32, #tpu.memory_space<hbm>>
    tpu.enqueue_dma source(%dma_start3A_29 : memref<80xi32, #tpu.memory_space<hbm>>) target(%dma_start3A_28 : memref<80xi32, #tpu.memory_space<vmem>>) target_semaphore(%dma_start3A_25 : memref<!tpu.dma_semaphore, #tpu.memory_space<semaphore_mem>>)
    %dma_start3A_30 = arith.constant 0 : i32
    %dma_start3A_31 = tpu.memref_slice %arg9[%rem3A_18, %dma_start3A_30] : memref<8x80xi32, #tpu.memory_space<vmem>> -> memref<1x80xi32, #tpu.memory_space<vmem>>
    %dma_start3A_32 = tpu.memref_squeeze %dma_start3A_31 : memref<1x80xi32, #tpu.memory_space<vmem>> -> memref<80xi32, #tpu.memory_space<vmem>>
    %dma_start3A_33 = tpu.memref_slice %arg5[%add3A_20] : memref<160000xi32, #tpu.memory_space<hbm>> -> memref<80xi32, #tpu.memory_space<hbm>>
    %dma_start3A_34 = tpu.memref_slice %arg15[%rem3A_18] : memref<8x!tpu.dma_semaphore, #tpu.memory_space<semaphore_mem>> -> memref<1x!tpu.dma_semaphore, #tpu.memory_space<semaphore_mem>>
    %dma_start3A_35 = tpu.memref_squeeze %dma_start3A_34 : memref<1x!tpu.dma_semaphore, #tpu.memory_space<semaphore_mem>> -> memref<!tpu.dma_semaphore, #tpu.memory_space<semaphore_mem>>
    %dma_start3A_36 = arith.constant 0 : i32
    %dma_start3A_37 = tpu.memref_slice %arg9[%rem3A_18, %dma_start3A_36] : memref<8x80xi32, #tpu.memory_space<vmem>> -> memref<1x80xi32, #tpu.memory_space<vmem>>
    %dma_start3A_38 = tpu.memref_squeeze %dma_start3A_37 : memref<1x80xi32, #tpu.memory_space<vmem>> -> memref<80xi32, #tpu.memory_space<vmem>>
    %dma_start3A_39 = tpu.memref_slice %arg5[%add3A_20] : memref<160000xi32, #tpu.memory_space<hbm>> -> memref<80xi32, #tpu.memory_space<hbm>>
    tpu.enqueue_dma source(%dma_start3A_39 : memref<80xi32, #tpu.memory_space<hbm>>) target(%dma_start3A_38 : memref<80xi32, #tpu.memory_space<vmem>>) target_semaphore(%dma_start3A_35 : memref<!tpu.dma_semaphore, #tpu.memory_space<semaphore_mem>>)
    %rem3A_40 = arith.constant 1 : i32
    %rem3A_41 = arith.constant 8 : i32
    %rem3A_42 = arith.remsi %rem3A_40, %rem3A_41 : i32
    %add3A_43 = arith.constant 80 : i32
    %add3A_44 = arith.addi %mul3A_1, %add3A_43 : i32
    %dma_start3A_45 = arith.constant 0 : i32
    %dma_start3A_46 = tpu.memref_slice %arg8[%rem3A_42, %dma_start3A_45] : memref<8x80xi32, #tpu.memory_space<vmem>> -> memref<1x80xi32, #tpu.memory_space<vmem>>
    %dma_start3A_47 = tpu.memref_squeeze %dma_start3A_46 : memref<1x80xi32, #tpu.memory_space<vmem>> -> memref<80xi32, #tpu.memory_space<vmem>>
    %dma_start3A_48 = tpu.memref_slice %arg4[%add3A_44] : memref<160000xi32, #tpu.memory_space<hbm>> -> memref<80xi32, #tpu.memory_space<hbm>>
    %dma_start3A_49 = tpu.memref_slice %arg15[%rem3A_42] : memref<8x!tpu.dma_semaphore, #tpu.memory_space<semaphore_mem>> -> memref<1x!tpu.dma_semaphore, #tpu.memory_space<semaphore_mem>>
    %dma_start3A_50 = tpu.memref_squeeze %dma_start3A_49 : memref<1x!tpu.dma_semaphore, #tpu.memory_space<semaphore_mem>> -> memref<!tpu.dma_semaphore, #tpu.memory_space<semaphore_mem>>
    %dma_start3A_51 = arith.constant 0 : i32
    %dma_start3A_52 = tpu.memref_slice %arg8[%rem3A_42, %dma_start3A_51] : memref<8x80xi32, #tpu.memory_space<vmem>> -> memref<1x80xi32, #tpu.memory_space<vmem>>
    %dma_start3A_53 = tpu.memref_squeeze %dma_start3A_52 : memref<1x80xi32, #tpu.memory_space<vmem>> -> memref<80xi32, #tpu.memory_space<vmem>>
    %dma_start3A_54 = tpu.memref_slice %arg4[%add3A_44] : memref<160000xi32, #tpu.memory_space<hbm>> -> memref<80xi32, #tpu.memory_space<hbm>>
    tpu.enqueue_dma source(%dma_start3A_54 : memref<80xi32, #tpu.memory_space<hbm>>) target(%dma_start3A_53 : memref<80xi32, #tpu.memory_space<vmem>>) target_semaphore(%dma_start3A_50 : memref<!tpu.dma_semaphore, #tpu.memory_space<semaphore_mem>>)
    %dma_start3A_55 = arith.constant 0 : i32
    %dma_start3A_56 = tpu.memref_slice %arg9[%rem3A_42, %dma_start3A_55] : memref<8x80xi32, #tpu.memory_space<vmem>> -> memref<1x80xi32, #tpu.memory_space<vmem>>
    %dma_start3A_57 = tpu.memref_squeeze %dma_start3A_56 : memref<1x80xi32, #tpu.memory_space<vmem>> -> memref<80xi32, #tpu.memory_space<vmem>>
    %dma_start3A_58 = tpu.memref_slice %arg5[%add3A_44] : memref<160000xi32, #tpu.memory_space<hbm>> -> memref<80xi32, #tpu.memory_space<hbm>>
    %dma_start3A_59 = tpu.memref_slice %arg15[%rem3A_42] : memref<8x!tpu.dma_semaphore, #tpu.memory_space<semaphore_mem>> -> memref<1x!tpu.dma_semaphore, #tpu.memory_space<semaphore_mem>>
    %dma_start3A_60 = tpu.memref_squeeze %dma_start3A_59 : memref<1x!tpu.dma_semaphore, #tpu.memory_space<semaphore_mem>> -> memref<!tpu.dma_semaphore, #tpu.memory_space<semaphore_mem>>
    %dma_start3A_61 = arith.constant 0 : i32
    %dma_start3A_62 = tpu.memref_slice %arg9[%rem3A_42, %dma_start3A_61] : memref<8x80xi32, #tpu.memory_space<vmem>> -> memref<1x80xi32, #tpu.memory_space<vmem>>
    %dma_start3A_63 = tpu.memref_squeeze %dma_start3A_62 : memref<1x80xi32, #tpu.memory_space<vmem>> -> memref<80xi32, #tpu.memory_space<vmem>>
    %dma_start3A_64 = tpu.memref_slice %arg5[%add3A_44] : memref<160000xi32, #tpu.memory_space<hbm>> -> memref<80xi32, #tpu.memory_space<hbm>>
    tpu.enqueue_dma source(%dma_start3A_64 : memref<80xi32, #tpu.memory_space<hbm>>) target(%dma_start3A_63 : memref<80xi32, #tpu.memory_space<vmem>>) target_semaphore(%dma_start3A_60 : memref<!tpu.dma_semaphore, #tpu.memory_space<semaphore_mem>>)
    %rem3A_65 = arith.constant 2 : i32
    %rem3A_66 = arith.constant 8 : i32
    %rem3A_67 = arith.remsi %rem3A_65, %rem3A_66 : i32
    %add3A_68 = arith.constant 160 : i32
    %add3A_69 = arith.addi %mul3A_1, %add3A_68 : i32
    %dma_start3A_70 = arith.constant 0 : i32
    %dma_start3A_71 = tpu.memref_slice %arg8[%rem3A_67, %dma_start3A_70] : memref<8x80xi32, #tpu.memory_space<vmem>> -> memref<1x80xi32, #tpu.memory_space<vmem>>
    %dma_start3A_72 = tpu.memref_squeeze %dma_start3A_71 : memref<1x80xi32, #tpu.memory_space<vmem>> -> memref<80xi32, #tpu.memory_space<vmem>>
    %dma_start3A_73 = tpu.memref_slice %arg4[%add3A_69] : memref<160000xi32, #tpu.memory_space<hbm>> -> memref<80xi32, #tpu.memory_space<hbm>>
    %dma_start3A_74 = tpu.memref_slice %arg15[%rem3A_67] : memref<8x!tpu.dma_semaphore, #tpu.memory_space<semaphore_mem>> -> memref<1x!tpu.dma_semaphore, #tpu.memory_space<semaphore_mem>>
    %dma_start3A_75 = tpu.memref_squeeze %dma_start3A_74 : memref<1x!tpu.dma_semaphore, #tpu.memory_space<semaphore_mem>> -> memref<!tpu.dma_semaphore, #tpu.memory_space<semaphore_mem>>
    %dma_start3A_76 = arith.constant 0 : i32
    %dma_start3A_77 = tpu.memref_slice %arg8[%rem3A_67, %dma_start3A_76] : memref<8x80xi32, #tpu.memory_space<vmem>> -> memref<1x80xi32, #tpu.memory_space<vmem>>
    %dma_start3A_78 = tpu.memref_squeeze %dma_start3A_77 : memref<1x80xi32, #tpu.memory_space<vmem>> -> memref<80xi32, #tpu.memory_space<vmem>>
    %dma_start3A_79 = tpu.memref_slice %arg4[%add3A_69] : memref<160000xi32, #tpu.memory_space<hbm>> -> memref<80xi32, #tpu.memory_space<hbm>>
    tpu.enqueue_dma source(%dma_start3A_79 : memref<80xi32, #tpu.memory_space<hbm>>) target(%dma_start3A_78 : memref<80xi32, #tpu.memory_space<vmem>>) target_semaphore(%dma_start3A_75 : memref<!tpu.dma_semaphore, #tpu.memory_space<semaphore_mem>>)
    %dma_start3A_80 = arith.constant 0 : i32
    %dma_start3A_81 = tpu.memref_slice %arg9[%rem3A_67, %dma_start3A_80] : memref<8x80xi32, #tpu.memory_space<vmem>> -> memref<1x80xi32, #tpu.memory_space<vmem>>
    %dma_start3A_82 = tpu.memref_squeeze %dma_start3A_81 : memref<1x80xi32, #tpu.memory_space<vmem>> -> memref<80xi32, #tpu.memory_space<vmem>>
    %dma_start3A_83 = tpu.memref_slice %arg5[%add3A_69] : memref<160000xi32, #tpu.memory_space<hbm>> -> memref<80xi32, #tpu.memory_space<hbm>>
    %dma_start3A_84 = tpu.memref_slice %arg15[%rem3A_67] : memref<8x!tpu.dma_semaphore, #tpu.memory_space<semaphore_mem>> -> memref<1x!tpu.dma_semaphore, #tpu.memory_space<semaphore_mem>>
    %dma_start3A_85 = tpu.memref_squeeze %dma_start3A_84 : memref<1x!tpu.dma_semaphore, #tpu.memory_space<semaphore_mem>> -> memref<!tpu.dma_semaphore, #tpu.memory_space<semaphore_mem>>
    %dma_start3A_86 = arith.constant 0 : i32
    %dma_start3A_87 = tpu.memref_slice %arg9[%rem3A_67, %dma_start3A_86] : memref<8x80xi32, #tpu.memory_space<vmem>> -> memref<1x80xi32, #tpu.memory_space<vmem>>
    %dma_start3A_88 = tpu.memref_squeeze %dma_start3A_87 : memref<1x80xi32, #tpu.memory_space<vmem>> -> memref<80xi32, #tpu.memory_space<vmem>>
    %dma_start3A_89 = tpu.memref_slice %arg5[%add3A_69] : memref<160000xi32, #tpu.memory_space<hbm>> -> memref<80xi32, #tpu.memory_space<hbm>>
    tpu.enqueue_dma source(%dma_start3A_89 : memref<80xi32, #tpu.memory_space<hbm>>) target(%dma_start3A_88 : memref<80xi32, #tpu.memory_space<vmem>>) target_semaphore(%dma_start3A_85 : memref<!tpu.dma_semaphore, #tpu.memory_space<semaphore_mem>>)
    %scan3A_90 = arith.constant -65536 : i32
    %scan3A_91 = arith.constant 0 : i32
    %scan3A_92 = arith.constant 127 : i32
    %scan3A_93 = arith.addi %scan3A_91, %scan3A_92 : i32
    %scan3A_94 = arith.constant 1 : i32
    scf.for %scan3A_160 = %scan3A_91 to %scan3A_93 step %scan3A_94  : i32 {
      %mul3A_161 = arith.constant 1 : i32
      %mul3A_162 = arith.muli %scan3A_160, %mul3A_161 : i32
      %add3A_163 = arith.constant 0 : i32
      %add3A_164 = arith.addi %add3A_163, %mul3A_162 : i32
      %ge3A = arith.constant 2 : i32
      %ge3A_165 = arith.cmpi sge, %add3A_164, %ge3A : i32
      %convert_element_type3A_166 = arith.extui %ge3A_165 : i1 to i32
      %cond3A_167 = arith.constant 0 : i32
      %cond3A_168 = arith.cmpi ne, %convert_element_type3A_166, %cond3A_167 : i32
      scf.if %cond3A_168 {
        %sub3A_180 = arith.constant 2 : i32
        %sub3A_181 = arith.subi %add3A_164, %sub3A_180 : i32
        %rem3A_182 = arith.constant 3 : i32
        %rem3A_183 = arith.remsi %sub3A_181, %rem3A_182 : i32
        %rem3A_184 = arith.constant 8 : i32
        %rem3A_185 = arith.remsi %sub3A_181, %rem3A_184 : i32
        %mul3A_186 = arith.constant 80 : i32
        %mul3A_187 = arith.muli %sub3A_181, %mul3A_186 : i32
        %add3A_188 = arith.addi %mul3A_1, %mul3A_187 : i32
        %jit3A = arith.constant 2 : i32
        %div3A = arith.divsi %add3A_188, %jit3A : i32
        %sign3A = arith.constant 0 : i32
        %sign3A_189 = arith.cmpi sgt, %add3A_188, %sign3A : i32
        %sign3A_190 = arith.extui %sign3A_189 : i1 to i32
        %sign3A_191 = arith.constant 0 : i32
        %sign3A_192 = arith.cmpi slt, %add3A_188, %sign3A_191 : i32
        %sign3A_193 = arith.extui %sign3A_192 : i1 to i32
        %sign3A_194 = arith.subi %sign3A_190, %sign3A_193 : i32
        %sign3A_195 = arith.constant 0 : i32
        %sign3A_196 = arith.cmpi sgt, %jit3A, %sign3A_195 : i32
        %sign3A_197 = arith.extui %sign3A_196 : i1 to i32
        %sign3A_198 = arith.constant 0 : i32
        %sign3A_199 = arith.cmpi slt, %jit3A, %sign3A_198 : i32
        %sign3A_200 = arith.extui %sign3A_199 : i1 to i32
        %sign3A_201 = arith.subi %sign3A_197, %sign3A_200 : i32
        %ne3A = arith.cmpi ne, %sign3A_194, %sign3A_201 : i32
        %rem3A_202 = arith.remsi %add3A_188, %jit3A : i32
        %ne3A_203 = arith.constant 0 : i32
        %ne3A_204 = arith.cmpi ne, %rem3A_202, %ne3A_203 : i32
        %and3A = arith.andi %ne3A, %ne3A_204 : i1
        %sub3A_205 = arith.constant 1 : i32
        %sub3A_206 = arith.subi %div3A, %sub3A_205 : i32
        %select_n3A = arith.select %and3A, %sub3A_206, %div3A : i32
        %multiple_of3A = tpu.assume_multiple %select_n3A, 8 : i32
        %dma_wait3A_207 = arith.constant 0 : i32
        %dma_wait3A_208 = arith.constant 0 : i32
        %dma_wait3A_209 = tpu.memref_slice %arg10[%rem3A_183, %dma_wait3A_207, %dma_wait3A_208] : memref<3x80x128xf32, #tpu.memory_space<vmem>> -> memref<1x80x128xf32, #tpu.memory_space<vmem>>
        %dma_wait3A_210 = tpu.memref_squeeze %dma_wait3A_209 : memref<1x80x128xf32, #tpu.memory_space<vmem>> -> memref<80x128xf32, #tpu.memory_space<vmem>>
        %dma_wait3A_211 = arith.constant 0 : i32
        %dma_wait3A_212 = tpu.memref_slice %arg8[%rem3A_185, %dma_wait3A_211] : memref<8x80xi32, #tpu.memory_space<vmem>> -> memref<1x80xi32, #tpu.memory_space<vmem>>
        %dma_wait3A_213 = tpu.memref_squeeze %dma_wait3A_212 : memref<1x80xi32, #tpu.memory_space<vmem>> -> memref<80xi32, #tpu.memory_space<vmem>>
        %dma_wait3A_214 = arith.constant 0 : i32
        %dma_wait3A_215 = arith.constant 0 : i32
        %dma_wait3A_216 = tpu.memref_slice %arg2[%arg0, %dma_wait3A_214, %dma_wait3A_215] : memref<2x10000x128xf32, #tpu.memory_space<hbm>> -> memref<1x10000x128xf32, #tpu.memory_space<hbm>>
        %dma_wait3A_217 = tpu.memref_squeeze %dma_wait3A_216 : memref<1x10000x128xf32, #tpu.memory_space<hbm>> -> memref<10000x128xf32, #tpu.memory_space<hbm>>
        %dma_wait3A_218 = arith.constant 0 : i32
        %dma_wait3A_219 = arith.constant 0 : i32
        %dma_wait3A_220 = tpu.memref_slice %dma_wait3A_217[%dma_wait3A_218, %dma_wait3A_219] : memref<10000x128xf32, #tpu.memory_space<hbm>> -> memref<10000x128xf32, #tpu.memory_space<hbm>>
        %dma_wait3A_221 = tpu.memref_slice %arg12[%rem3A_183] : memref<3x!tpu.dma_semaphore, #tpu.memory_space<semaphore_mem>> -> memref<1x!tpu.dma_semaphore, #tpu.memory_space<semaphore_mem>>
        %dma_wait3A_222 = tpu.memref_squeeze %dma_wait3A_221 : memref<1x!tpu.dma_semaphore, #tpu.memory_space<semaphore_mem>> -> memref<!tpu.dma_semaphore, #tpu.memory_space<semaphore_mem>>
        tpu.wait_indirect_dma semaphore(%dma_wait3A_222 : memref<!tpu.dma_semaphore, #tpu.memory_space<semaphore_mem>>) src(%dma_wait3A_220 : memref<10000x128xf32, #tpu.memory_space<hbm>>) dst(%dma_wait3A_210 : memref<80x128xf32, #tpu.memory_space<vmem>>)
        %dma_wait3A_223 = arith.constant 0 : i32
        %dma_wait3A_224 = arith.constant 0 : i32
        %dma_wait3A_225 = tpu.memref_slice %arg11[%rem3A_183, %dma_wait3A_223, %dma_wait3A_224] : memref<3x40x128xi32, #tpu.memory_space<vmem>> -> memref<1x40x128xi32, #tpu.memory_space<vmem>>
        %dma_wait3A_226 = tpu.memref_squeeze %dma_wait3A_225 : memref<1x40x128xi32, #tpu.memory_space<vmem>> -> memref<40x128xi32, #tpu.memory_space<vmem>>
        %dma_wait3A_227 = arith.constant 0 : i32
        %dma_wait3A_228 = arith.constant 0 : i32
        %dma_wait3A_229 = tpu.memref_slice %arg3[%arg0, %dma_wait3A_227, %dma_wait3A_228] : memref<2x80000x128xi32, #tpu.memory_space<hbm>> -> memref<1x80000x128xi32, #tpu.memory_space<hbm>>
        %dma_wait3A_230 = tpu.memref_squeeze %dma_wait3A_229 : memref<1x80000x128xi32, #tpu.memory_space<hbm>> -> memref<80000x128xi32, #tpu.memory_space<hbm>>
        %dma_wait3A_231 = arith.constant 0 : i32
        %dma_wait3A_232 = tpu.memref_slice %dma_wait3A_230[%multiple_of3A, %dma_wait3A_231] : memref<80000x128xi32, #tpu.memory_space<hbm>> -> memref<40x128xi32, #tpu.memory_space<hbm>>
        %dma_wait3A_233 = tpu.memref_slice %arg13[%rem3A_183] : memref<3x!tpu.dma_semaphore, #tpu.memory_space<semaphore_mem>> -> memref<1x!tpu.dma_semaphore, #tpu.memory_space<semaphore_mem>>
        %dma_wait3A_234 = tpu.memref_squeeze %dma_wait3A_233 : memref<1x!tpu.dma_semaphore, #tpu.memory_space<semaphore_mem>> -> memref<!tpu.dma_semaphore, #tpu.memory_space<semaphore_mem>>
        %dma_wait3A_235 = arith.constant 0 : i32
        %dma_wait3A_236 = arith.constant 0 : i32
        %dma_wait3A_237 = tpu.memref_slice %arg11[%rem3A_183, %dma_wait3A_235, %dma_wait3A_236] : memref<3x40x128xi32, #tpu.memory_space<vmem>> -> memref<1x40x128xi32, #tpu.memory_space<vmem>>
        %dma_wait3A_238 = tpu.memref_squeeze %dma_wait3A_237 : memref<1x40x128xi32, #tpu.memory_space<vmem>> -> memref<40x128xi32, #tpu.memory_space<vmem>>
        %dma_wait3A_239 = arith.constant 0 : i32
        %dma_wait3A_240 = arith.constant 0 : i32
        %dma_wait3A_241 = tpu.memref_slice %arg3[%arg0, %dma_wait3A_239, %dma_wait3A_240] : memref<2x80000x128xi32, #tpu.memory_space<hbm>> -> memref<1x80000x128xi32, #tpu.memory_space<hbm>>
        %dma_wait3A_242 = tpu.memref_squeeze %dma_wait3A_241 : memref<1x80000x128xi32, #tpu.memory_space<hbm>> -> memref<80000x128xi32, #tpu.memory_space<hbm>>
        %dma_wait3A_243 = arith.constant 0 : i32
        %dma_wait3A_244 = tpu.memref_slice %dma_wait3A_242[%multiple_of3A, %dma_wait3A_243] : memref<80000x128xi32, #tpu.memory_space<hbm>> -> memref<40x128xi32, #tpu.memory_space<hbm>>
        tpu.wait_dma2 semaphore(%dma_wait3A_234 : memref<!tpu.dma_semaphore, #tpu.memory_space<semaphore_mem>>) src(%dma_wait3A_244 : memref<40x128xi32, #tpu.memory_space<hbm>>) dst(%dma_wait3A_238 : memref<40x128xi32, #tpu.memory_space<vmem>>)
        %rem3A_245 = arith.constant 3 : i32
        %rem3A_246 = arith.remsi %sub3A_181, %rem3A_245 : i32
        %parallel_loop3A = arith.constant 0 : i32
        %parallel_loop3A_247 = arith.constant 40 : i32
        %parallel_loop3A_248 = arith.constant 1 : i32
        scf.for %parallel_loop3A_265 = %parallel_loop3A to %parallel_loop3A_247 step %parallel_loop3A_248  : i32 {
          %parallel_loop3A_266 = arith.constant 2 : i32
          %parallel_loop3A_267 = arith.muli %parallel_loop3A_266, %parallel_loop3A_265 : i32
          %parallel_loop3A_268 = arith.constant 0 : i32
          %parallel_loop3A_269 = arith.addi %parallel_loop3A_267, %parallel_loop3A_268 : i32
          %parallel_loop3A_270 = arith.index_cast %rem3A_246 : i32 to index
          %parallel_loop3A_271 = arith.index_cast %parallel_loop3A_265 : i32 to index
          %parallel_loop3A_272 = arith.constant 0 : index
          %parallel_loop3A_273 = tpu.vector_load %arg11[%parallel_loop3A_270, %parallel_loop3A_271, %parallel_loop3A_272] {strides = array<i32>} : memref<3x40x128xi32, #tpu.memory_space<vmem>>, vector<16xi32>,
          %parallel_loop3A_274 = arith.constant 16 : i32
          %parallel_loop3A_275 = vector.broadcast %parallel_loop3A_274 : i32 to vector<16xi32>
          %parallel_loop3A_276 = arith.shli %parallel_loop3A_273, %parallel_loop3A_275 : vector<16xi32>
          %parallel_loop3A_277 = vector.bitcast %parallel_loop3A_276 : vector<16xi32> to vector<16xf32>
          %parallel_loop3A_278 = vector.broadcast %scan3A_90 : i32 to vector<16xi32>
          %parallel_loop3A_279 = arith.andi %parallel_loop3A_273, %parallel_loop3A_278 : vector<16xi32>
          %parallel_loop3A_280 = vector.bitcast %parallel_loop3A_279 : vector<16xi32> to vector<16xf32>
          %parallel_loop3A_281 = arith.index_cast %rem3A_246 : i32 to index
          %parallel_loop3A_282 = arith.index_cast %parallel_loop3A_269 : i32 to index
          %parallel_loop3A_283 = arith.constant 0 : index
          %parallel_loop3A_284 = tpu.vector_load %arg10[%parallel_loop3A_281, %parallel_loop3A_282, %parallel_loop3A_283] {strides = array<i32>} : memref<3x80x128xf32, #tpu.memory_space<vmem>>, vector<16xf32>,
          %parallel_loop3A_285 = arith.addf %parallel_loop3A_284, %parallel_loop3A_277 : vector<16xf32>
          %parallel_loop3A_286 = arith.index_cast %rem3A_246 : i32 to index
          %parallel_loop3A_287 = arith.index_cast %parallel_loop3A_269 : i32 to index
          %parallel_loop3A_288 = arith.constant 64 : index
          %parallel_loop3A_289 = tpu.vector_load %arg10[%parallel_loop3A_286, %parallel_loop3A_287, %parallel_loop3A_288] {strides = array<i32>} : memref<3x80x128xf32, #tpu.memory_space<vmem>>, vector<16xf32>,
          %parallel_loop3A_290 = arith.addf %parallel_loop3A_289, %parallel_loop3A_280 : vector<16xf32>
          %parallel_loop3A_291 = arith.maximumf %parallel_loop3A_285, %broadcast_in_dim3A_0 : vector<16xf32>
          %parallel_loop3A_292 = arith.index_cast %rem3A_246 : i32 to index
          %parallel_loop3A_293 = arith.index_cast %parallel_loop3A_269 : i32 to index
          %parallel_loop3A_294 = arith.constant 0 : index
          %parallel_loop3A_295 = tpu.vector_load %arg10[%parallel_loop3A_292, %parallel_loop3A_293, %parallel_loop3A_294] {strides = array<i32>} : memref<3x80x128xf32, #tpu.memory_space<vmem>>, vector<16xf32>,
          tpu.vector_store %arg10[%parallel_loop3A_292, %parallel_loop3A_293, %parallel_loop3A_294], %parallel_loop3A_291 {strides = array<i32>} : memref<3x80x128xf32, #tpu.memory_space<vmem>>, vector<16xf32>,
          %parallel_loop3A_296 = arith.maximumf %parallel_loop3A_290, %broadcast_in_dim3A_0 : vector<16xf32>
          %parallel_loop3A_297 = arith.index_cast %rem3A_246 : i32 to index
          %parallel_loop3A_298 = arith.index_cast %parallel_loop3A_269 : i32 to index
          %parallel_loop3A_299 = arith.constant 64 : index
          %parallel_loop3A_300 = tpu.vector_load %arg10[%parallel_loop3A_297, %parallel_loop3A_298, %parallel_loop3A_299] {strides = array<i32>} : memref<3x80x128xf32, #tpu.memory_space<vmem>>, vector<16xf32>,
          tpu.vector_store %arg10[%parallel_loop3A_297, %parallel_loop3A_298, %parallel_loop3A_299], %parallel_loop3A_296 {strides = array<i32>} : memref<3x80x128xf32, #tpu.memory_space<vmem>>, vector<16xf32>,
          %parallel_loop3A_301 = arith.index_cast %rem3A_246 : i32 to index
          %parallel_loop3A_302 = arith.index_cast %parallel_loop3A_265 : i32 to index
          %parallel_loop3A_303 = arith.constant 16 : index
          %parallel_loop3A_304 = tpu.vector_load %arg11[%parallel_loop3A_301, %parallel_loop3A_302, %parallel_loop3A_303] {strides = array<i32>} : memref<3x40x128xi32, #tpu.memory_space<vmem>>, vector<16xi32>,
          %parallel_loop3A_305 = arith.constant 16 : i32
          %parallel_loop3A_306 = vector.broadcast %parallel_loop3A_305 : i32 to vector<16xi32>
          %parallel_loop3A_307 = arith.shli %parallel_loop3A_304, %parallel_loop3A_306 : vector<16xi32>
          %parallel_loop3A_308 = vector.bitcast %parallel_loop3A_307 : vector<16xi32> to vector<16xf32>
          %parallel_loop3A_309 = vector.broadcast %scan3A_90 : i32 to vector<16xi32>
          %parallel_loop3A_310 = arith.andi %parallel_loop3A_304, %parallel_loop3A_309 : vector<16xi32>
          %parallel_loop3A_311 = vector.bitcast %parallel_loop3A_310 : vector<16xi32> to vector<16xf32>
          %parallel_loop3A_312 = arith.index_cast %rem3A_246 : i32 to index
          %parallel_loop3A_313 = arith.index_cast %parallel_loop3A_269 : i32 to index
          %parallel_loop3A_314 = arith.constant 16 : index
          %parallel_loop3A_315 = tpu.vector_load %arg10[%parallel_loop3A_312, %parallel_loop3A_313, %parallel_loop3A_314] {strides = array<i32>} : memref<3x80x128xf32, #tpu.memory_space<vmem>>, vector<16xf32>,
          %parallel_loop3A_316 = arith.addf %parallel_loop3A_315, %parallel_loop3A_308 : vector<16xf32>
          %parallel_loop3A_317 = arith.index_cast %rem3A_246 : i32 to index
          %parallel_loop3A_318 = arith.index_cast %parallel_loop3A_269 : i32 to index
          %parallel_loop3A_319 = arith.constant 80 : index
          %parallel_loop3A_320 = tpu.vector_load %arg10[%parallel_loop3A_317, %parallel_loop3A_318, %parallel_loop3A_319] {strides = array<i32>} : memref<3x80x128xf32, #tpu.memory_space<vmem>>, vector<16xf32>,
          %parallel_loop3A_321 = arith.addf %parallel_loop3A_320, %parallel_loop3A_311 : vector<16xf32>
          %parallel_loop3A_322 = arith.maximumf %parallel_loop3A_316, %broadcast_in_dim3A_0 : vector<16xf32>
          %parallel_loop3A_323 = arith.index_cast %rem3A_246 : i32 to index
          %parallel_loop3A_324 = arith.index_cast %parallel_loop3A_269 : i32 to index
          %parallel_loop3A_325 = arith.constant 16 : index
          %parallel_loop3A_326 = tpu.vector_load %arg10[%parallel_loop3A_323, %parallel_loop3A_324, %parallel_loop3A_325] {strides = array<i32>} : memref<3x80x128xf32, #tpu.memory_space<vmem>>, vector<16xf32>,
          tpu.vector_store %arg10[%parallel_loop3A_323, %parallel_loop3A_324, %parallel_loop3A_325], %parallel_loop3A_322 {strides = array<i32>} : memref<3x80x128xf32, #tpu.memory_space<vmem>>, vector<16xf32>,
          %parallel_loop3A_327 = arith.maximumf %parallel_loop3A_321, %broadcast_in_dim3A_0 : vector<16xf32>
          %parallel_loop3A_328 = arith.index_cast %rem3A_246 : i32 to index
          %parallel_loop3A_329 = arith.index_cast %parallel_loop3A_269 : i32 to index
          %parallel_loop3A_330 = arith.constant 80 : index
          %parallel_loop3A_331 = tpu.vector_load %arg10[%parallel_loop3A_328, %parallel_loop3A_329, %parallel_loop3A_330] {strides = array<i32>} : memref<3x80x128xf32, #tpu.memory_space<vmem>>, vector<16xf32>,
          tpu.vector_store %arg10[%parallel_loop3A_328, %parallel_loop3A_329, %parallel_loop3A_330], %parallel_loop3A_327 {strides = array<i32>} : memref<3x80x128xf32, #tpu.memory_space<vmem>>, vector<16xf32>,
          %parallel_loop3A_332 = arith.index_cast %rem3A_246 : i32 to index
          %parallel_loop3A_333 = arith.index_cast %parallel_loop3A_265 : i32 to index
          %parallel_loop3A_334 = arith.constant 32 : index
          %parallel_loop3A_335 = tpu.vector_load %arg11[%parallel_loop3A_332, %parallel_loop3A_333, %parallel_loop3A_334] {strides = array<i32>} : memref<3x40x128xi32, #tpu.memory_space<vmem>>, vector<16xi32>,
          %parallel_loop3A_336 = arith.constant 16 : i32
          %parallel_loop3A_337 = vector.broadcast %parallel_loop3A_336 : i32 to vector<16xi32>
          %parallel_loop3A_338 = arith.shli %parallel_loop3A_335, %parallel_loop3A_337 : vector<16xi32>
          %parallel_loop3A_339 = vector.bitcast %parallel_loop3A_338 : vector<16xi32> to vector<16xf32>
          %parallel_loop3A_340 = vector.broadcast %scan3A_90 : i32 to vector<16xi32>
          %parallel_loop3A_341 = arith.andi %parallel_loop3A_335, %parallel_loop3A_340 : vector<16xi32>
          %parallel_loop3A_342 = vector.bitcast %parallel_loop3A_341 : vector<16xi32> to vector<16xf32>
          %parallel_loop3A_343 = arith.index_cast %rem3A_246 : i32 to index
          %parallel_loop3A_344 = arith.index_cast %parallel_loop3A_269 : i32 to index
          %parallel_loop3A_345 = arith.constant 32 : index
          %parallel_loop3A_346 = tpu.vector_load %arg10[%parallel_loop3A_343, %parallel_loop3A_344, %parallel_loop3A_345] {strides = array<i32>} : memref<3x80x128xf32, #tpu.memory_space<vmem>>, vector<16xf32>,
          %parallel_loop3A_347 = arith.addf %parallel_loop3A_346, %parallel_loop3A_339 : vector<16xf32>
          %parallel_loop3A_348 = arith.index_cast %rem3A_246 : i32 to index
          %parallel_loop3A_349 = arith.index_cast %parallel_loop3A_269 : i32 to index
          %parallel_loop3A_350 = arith.constant 96 : index
          %parallel_loop3A_351 = tpu.vector_load %arg10[%parallel_loop3A_348, %parallel_loop3A_349, %parallel_loop3A_350] {strides = array<i32>} : memref<3x80x128xf32, #tpu.memory_space<vmem>>, vector<16xf32>,
          %parallel_loop3A_352 = arith.addf %parallel_loop3A_351, %parallel_loop3A_342 : vector<16xf32>
          %parallel_loop3A_353 = arith.maximumf %parallel_loop3A_347, %broadcast_in_dim3A_0 : vector<16xf32>
          %parallel_loop3A_354 = arith.index_cast %rem3A_246 : i32 to index
          %parallel_loop3A_355 = arith.index_cast %parallel_loop3A_269 : i32 to index
          %parallel_loop3A_356 = arith.constant 32 : index
          %parallel_loop3A_357 = tpu.vector_load %arg10[%parallel_loop3A_354, %parallel_loop3A_355, %parallel_loop3A_356] {strides = array<i32>} : memref<3x80x128xf32, #tpu.memory_space<vmem>>, vector<16xf32>,
          tpu.vector_store %arg10[%parallel_loop3A_354, %parallel_loop3A_355, %parallel_loop3A_356], %parallel_loop3A_353 {strides = array<i32>} : memref<3x80x128xf32, #tpu.memory_space<vmem>>, vector<16xf32>,
          %parallel_loop3A_358 = arith.maximumf %parallel_loop3A_352, %broadcast_in_dim3A_0 : vector<16xf32>
          %parallel_loop3A_359 = arith.index_cast %rem3A_246 : i32 to index
          %parallel_loop3A_360 = arith.index_cast %parallel_loop3A_269 : i32 to index
          %parallel_loop3A_361 = arith.constant 96 : index
          %parallel_loop3A_362 = tpu.vector_load %arg10[%parallel_loop3A_359, %parallel_loop3A_360, %parallel_loop3A_361] {strides = array<i32>} : memref<3x80x128xf32, #tpu.memory_space<vmem>>, vector<16xf32>,
          tpu.vector_store %arg10[%parallel_loop3A_359, %parallel_loop3A_360, %parallel_loop3A_361], %parallel_loop3A_358 {strides = array<i32>} : memref<3x80x128xf32, #tpu.memory_space<vmem>>, vector<16xf32>,
          %parallel_loop3A_363 = arith.index_cast %rem3A_246 : i32 to index
          %parallel_loop3A_364 = arith.index_cast %parallel_loop3A_265 : i32 to index
          %parallel_loop3A_365 = arith.constant 48 : index
          %parallel_loop3A_366 = tpu.vector_load %arg11[%parallel_loop3A_363, %parallel_loop3A_364, %parallel_loop3A_365] {strides = array<i32>} : memref<3x40x128xi32, #tpu.memory_space<vmem>>, vector<16xi32>,
          %parallel_loop3A_367 = arith.constant 16 : i32
          %parallel_loop3A_368 = vector.broadcast %parallel_loop3A_367 : i32 to vector<16xi32>
          %parallel_loop3A_369 = arith.shli %parallel_loop3A_366, %parallel_loop3A_368 : vector<16xi32>
          %parallel_loop3A_370 = vector.bitcast %parallel_loop3A_369 : vector<16xi32> to vector<16xf32>
          %parallel_loop3A_371 = vector.broadcast %scan3A_90 : i32 to vector<16xi32>
          %parallel_loop3A_372 = arith.andi %parallel_loop3A_366, %parallel_loop3A_371 : vector<16xi32>
          %parallel_loop3A_373 = vector.bitcast %parallel_loop3A_372 : vector<16xi32> to vector<16xf32>
          %parallel_loop3A_374 = arith.index_cast %rem3A_246 : i32 to index
          %parallel_loop3A_375 = arith.index_cast %parallel_loop3A_269 : i32 to index
          %parallel_loop3A_376 = arith.constant 48 : index
          %parallel_loop3A_377 = tpu.vector_load %arg10[%parallel_loop3A_374, %parallel_loop3A_375, %parallel_loop3A_376] {strides = array<i32>} : memref<3x80x128xf32, #tpu.memory_space<vmem>>, vector<16xf32>,
          %parallel_loop3A_378 = arith.addf %parallel_loop3A_377, %parallel_loop3A_370 : vector<16xf32>
          %parallel_loop3A_379 = arith.index_cast %rem3A_246 : i32 to index
          %parallel_loop3A_380 = arith.index_cast %parallel_loop3A_269 : i32 to index
          %parallel_loop3A_381 = arith.constant 112 : index
          %parallel_loop3A_382 = tpu.vector_load %arg10[%parallel_loop3A_379, %parallel_loop3A_380, %parallel_loop3A_381] {strides = array<i32>} : memref<3x80x128xf32, #tpu.memory_space<vmem>>, vector<16xf32>,
          %parallel_loop3A_383 = arith.addf %parallel_loop3A_382, %parallel_loop3A_373 : vector<16xf32>
          %parallel_loop3A_384 = arith.maximumf %parallel_loop3A_378, %broadcast_in_dim3A_0 : vector<16xf32>
          %parallel_loop3A_385 = arith.index_cast %rem3A_246 : i32 to index
          %parallel_loop3A_386 = arith.index_cast %parallel_loop3A_269 : i32 to index
          %parallel_loop3A_387 = arith.constant 48 : index
          %parallel_loop3A_388 = tpu.vector_load %arg10[%parallel_loop3A_385, %parallel_loop3A_386, %parallel_loop3A_387] {strides = array<i32>} : memref<3x80x128xf32, #tpu.memory_space<vmem>>, vector<16xf32>,
          tpu.vector_store %arg10[%parallel_loop3A_385, %parallel_loop3A_386, %parallel_loop3A_387], %parallel_loop3A_384 {strides = array<i32>} : memref<3x80x128xf32, #tpu.memory_space<vmem>>, vector<16xf32>,
          %parallel_loop3A_389 = arith.maximumf %parallel_loop3A_383, %broadcast_in_dim3A_0 : vector<16xf32>
          %parallel_loop3A_390 = arith.index_cast %rem3A_246 : i32 to index
          %parallel_loop3A_391 = arith.index_cast %parallel_loop3A_269 : i32 to index
          %parallel_loop3A_392 = arith.constant 112 : index
          %parallel_loop3A_393 = tpu.vector_load %arg10[%parallel_loop3A_390, %parallel_loop3A_391, %parallel_loop3A_392] {strides = array<i32>} : memref<3x80x128xf32, #tpu.memory_space<vmem>>, vector<16xf32>,
          tpu.vector_store %arg10[%parallel_loop3A_390, %parallel_loop3A_391, %parallel_loop3A_392], %parallel_loop3A_389 {strides = array<i32>} : memref<3x80x128xf32, #tpu.memory_space<vmem>>, vector<16xf32>,
          %parallel_loop3A_394 = arith.constant 2 : i32
          %parallel_loop3A_395 = arith.muli %parallel_loop3A_394, %parallel_loop3A_265 : i32
          %parallel_loop3A_396 = arith.constant 1 : i32
          %parallel_loop3A_397 = arith.addi %parallel_loop3A_395, %parallel_loop3A_396 : i32
          %parallel_loop3A_398 = arith.index_cast %rem3A_246 : i32 to index
          %parallel_loop3A_399 = arith.index_cast %parallel_loop3A_265 : i32 to index
          %parallel_loop3A_400 = arith.constant 64 : index
          %parallel_loop3A_401 = tpu.vector_load %arg11[%parallel_loop3A_398, %parallel_loop3A_399, %parallel_loop3A_400] {strides = array<i32>} : memref<3x40x128xi32, #tpu.memory_space<vmem>>, vector<16xi32>,
          %parallel_loop3A_402 = arith.constant 16 : i32
          %parallel_loop3A_403 = vector.broadcast %parallel_loop3A_402 : i32 to vector<16xi32>
          %parallel_loop3A_404 = arith.shli %parallel_loop3A_401, %parallel_loop3A_403 : vector<16xi32>
          %parallel_loop3A_405 = vector.bitcast %parallel_loop3A_404 : vector<16xi32> to vector<16xf32>
          %parallel_loop3A_406 = vector.broadcast %scan3A_90 : i32 to vector<16xi32>
          %parallel_loop3A_407 = arith.andi %parallel_loop3A_401, %parallel_loop3A_406 : vector<16xi32>
          %parallel_loop3A_408 = vector.bitcast %parallel_loop3A_407 : vector<16xi32> to vector<16xf32>
          %parallel_loop3A_409 = arith.index_cast %rem3A_246 : i32 to index
          %parallel_loop3A_410 = arith.index_cast %parallel_loop3A_397 : i32 to index
          %parallel_loop3A_411 = arith.constant 0 : index
          %parallel_loop3A_412 = tpu.vector_load %arg10[%parallel_loop3A_409, %parallel_loop3A_410, %parallel_loop3A_411] {strides = array<i32>} : memref<3x80x128xf32, #tpu.memory_space<vmem>>, vector<16xf32>,
          %parallel_loop3A_413 = arith.addf %parallel_loop3A_412, %parallel_loop3A_405 : vector<16xf32>
          %parallel_loop3A_414 = arith.index_cast %rem3A_246 : i32 to index
          %parallel_loop3A_415 = arith.index_cast %parallel_loop3A_397 : i32 to index
          %parallel_loop3A_416 = arith.constant 64 : index
          %parallel_loop3A_417 = tpu.vector_load %arg10[%parallel_loop3A_414, %parallel_loop3A_415, %parallel_loop3A_416] {strides = array<i32>} : memref<3x80x128xf32, #tpu.memory_space<vmem>>, vector<16xf32>,
          %parallel_loop3A_418 = arith.addf %parallel_loop3A_417, %parallel_loop3A_408 : vector<16xf32>
          %parallel_loop3A_419 = arith.maximumf %parallel_loop3A_413, %broadcast_in_dim3A_0 : vector<16xf32>
          %parallel_loop3A_420 = arith.index_cast %rem3A_246 : i32 to index
          %parallel_loop3A_421 = arith.index_cast %parallel_loop3A_397 : i32 to index
          %parallel_loop3A_422 = arith.constant 0 : index
          %parallel_loop3A_423 = tpu.vector_load %arg10[%parallel_loop3A_420, %parallel_loop3A_421, %parallel_loop3A_422] {strides = array<i32>} : memref<3x80x128xf32, #tpu.memory_space<vmem>>, vector<16xf32>,
          tpu.vector_store %arg10[%parallel_loop3A_420, %parallel_loop3A_421, %parallel_loop3A_422], %parallel_loop3A_419 {strides = array<i32>} : memref<3x80x128xf32, #tpu.memory_space<vmem>>, vector<16xf32>,
          %parallel_loop3A_424 = arith.maximumf %parallel_loop3A_418, %broadcast_in_dim3A_0 : vector<16xf32>
          %parallel_loop3A_425 = arith.index_cast %rem3A_246 : i32 to index
          %parallel_loop3A_426 = arith.index_cast %parallel_loop3A_397 : i32 to index
          %parallel_loop3A_427 = arith.constant 64 : index
          %parallel_loop3A_428 = tpu.vector_load %arg10[%parallel_loop3A_425, %parallel_loop3A_426, %parallel_loop3A_427] {strides = array<i32>} : memref<3x80x128xf32, #tpu.memory_space<vmem>>, vector<16xf32>,
          tpu.vector_store %arg10[%parallel_loop3A_425, %parallel_loop3A_426, %parallel_loop3A_427], %parallel_loop3A_424 {strides = array<i32>} : memref<3x80x128xf32, #tpu.memory_space<vmem>>, vector<16xf32>,
          %parallel_loop3A_429 = arith.index_cast %rem3A_246 : i32 to index
          %parallel_loop3A_430 = arith.index_cast %parallel_loop3A_265 : i32 to index
          %parallel_loop3A_431 = arith.constant 80 : index
          %parallel_loop3A_432 = tpu.vector_load %arg11[%parallel_loop3A_429, %parallel_loop3A_430, %parallel_loop3A_431] {strides = array<i32>} : memref<3x40x128xi32, #tpu.memory_space<vmem>>, vector<16xi32>,
          %parallel_loop3A_433 = arith.constant 16 : i32
          %parallel_loop3A_434 = vector.broadcast %parallel_loop3A_433 : i32 to vector<16xi32>
          %parallel_loop3A_435 = arith.shli %parallel_loop3A_432, %parallel_loop3A_434 : vector<16xi32>
          %parallel_loop3A_436 = vector.bitcast %parallel_loop3A_435 : vector<16xi32> to vector<16xf32>
          %parallel_loop3A_437 = vector.broadcast %scan3A_90 : i32 to vector<16xi32>
          %parallel_loop3A_438 = arith.andi %parallel_loop3A_432, %parallel_loop3A_437 : vector<16xi32>
          %parallel_loop3A_439 = vector.bitcast %parallel_loop3A_438 : vector<16xi32> to vector<16xf32>
          %parallel_loop3A_440 = arith.index_cast %rem3A_246 : i32 to index
          %parallel_loop3A_441 = arith.index_cast %parallel_loop3A_397 : i32 to index
          %parallel_loop3A_442 = arith.constant 16 : index
          %parallel_loop3A_443 = tpu.vector_load %arg10[%parallel_loop3A_440, %parallel_loop3A_441, %parallel_loop3A_442] {strides = array<i32>} : memref<3x80x128xf32, #tpu.memory_space<vmem>>, vector<16xf32>,
          %parallel_loop3A_444 = arith.addf %parallel_loop3A_443, %parallel_loop3A_436 : vector<16xf32>
          %parallel_loop3A_445 = arith.index_cast %rem3A_246 : i32 to index
          %parallel_loop3A_446 = arith.index_cast %parallel_loop3A_397 : i32 to index
          %parallel_loop3A_447 = arith.constant 80 : index
          %parallel_loop3A_448 = tpu.vector_load %arg10[%parallel_loop3A_445, %parallel_loop3A_446, %parallel_loop3A_447] {strides = array<i32>} : memref<3x80x128xf32, #tpu.memory_space<vmem>>, vector<16xf32>,
          %parallel_loop3A_449 = arith.addf %parallel_loop3A_448, %parallel_loop3A_439 : vector<16xf32>
          %parallel_loop3A_450 = arith.maximumf %parallel_loop3A_444, %broadcast_in_dim3A_0 : vector<16xf32>
          %parallel_loop3A_451 = arith.index_cast %rem3A_246 : i32 to index
          %parallel_loop3A_452 = arith.index_cast %parallel_loop3A_397 : i32 to index
          %parallel_loop3A_453 = arith.constant 16 : index
          %parallel_loop3A_454 = tpu.vector_load %arg10[%parallel_loop3A_451, %parallel_loop3A_452, %parallel_loop3A_453] {strides = array<i32>} : memref<3x80x128xf32, #tpu.memory_space<vmem>>, vector<16xf32>,
          tpu.vector_store %arg10[%parallel_loop3A_451, %parallel_loop3A_452, %parallel_loop3A_453], %parallel_loop3A_450 {strides = array<i32>} : memref<3x80x128xf32, #tpu.memory_space<vmem>>, vector<16xf32>,
          %parallel_loop3A_455 = arith.maximumf %parallel_loop3A_449, %broadcast_in_dim3A_0 : vector<16xf32>
          %parallel_loop3A_456 = arith.index_cast %rem3A_246 : i32 to index
          %parallel_loop3A_457 = arith.index_cast %parallel_loop3A_397 : i32 to index
          %parallel_loop3A_458 = arith.constant 80 : index
          %parallel_loop3A_459 = tpu.vector_load %arg10[%parallel_loop3A_456, %parallel_loop3A_457, %parallel_loop3A_458] {strides = array<i32>} : memref<3x80x128xf32, #tpu.memory_space<vmem>>, vector<16xf32>,
          tpu.vector_store %arg10[%parallel_loop3A_456, %parallel_loop3A_457, %parallel_loop3A_458], %parallel_loop3A_455 {strides = array<i32>} : memref<3x80x128xf32, #tpu.memory_space<vmem>>, vector<16xf32>,
          %parallel_loop3A_460 = arith.index_cast %rem3A_246 : i32 to index
          %parallel_loop3A_461 = arith.index_cast %parallel_loop3A_265 : i32 to index
          %parallel_loop3A_462 = arith.constant 96 : index
          %parallel_loop3A_463 = tpu.vector_load %arg11[%parallel_loop3A_460, %parallel_loop3A_461, %parallel_loop3A_462] {strides = array<i32>} : memref<3x40x128xi32, #tpu.memory_space<vmem>>, vector<16xi32>,
          %parallel_loop3A_464 = arith.constant 16 : i32
          %parallel_loop3A_465 = vector.broadcast %parallel_loop3A_464 : i32 to vector<16xi32>
          %parallel_loop3A_466 = arith.shli %parallel_loop3A_463, %parallel_loop3A_465 : vector<16xi32>
          %parallel_loop3A_467 = vector.bitcast %parallel_loop3A_466 : vector<16xi32> to vector<16xf32>
          %parallel_loop3A_468 = vector.broadcast %scan3A_90 : i32 to vector<16xi32>
          %parallel_loop3A_469 = arith.andi %parallel_loop3A_463, %parallel_loop3A_468 : vector<16xi32>
          %parallel_loop3A_470 = vector.bitcast %parallel_loop3A_469 : vector<16xi32> to vector<16xf32>
          %parallel_loop3A_471 = arith.index_cast %rem3A_246 : i32 to index
          %parallel_loop3A_472 = arith.index_cast %parallel_loop3A_397 : i32 to index
          %parallel_loop3A_473 = arith.constant 32 : index
          %parallel_loop3A_474 = tpu.vector_load %arg10[%parallel_loop3A_471, %parallel_loop3A_472, %parallel_loop3A_473] {strides = array<i32>} : memref<3x80x128xf32, #tpu.memory_space<vmem>>, vector<16xf32>,
          %parallel_loop3A_475 = arith.addf %parallel_loop3A_474, %parallel_loop3A_467 : vector<16xf32>
          %parallel_loop3A_476 = arith.index_cast %rem3A_246 : i32 to index
          %parallel_loop3A_477 = arith.index_cast %parallel_loop3A_397 : i32 to index
          %parallel_loop3A_478 = arith.constant 96 : index
          %parallel_loop3A_479 = tpu.vector_load %arg10[%parallel_loop3A_476, %parallel_loop3A_477, %parallel_loop3A_478] {strides = array<i32>} : memref<3x80x128xf32, #tpu.memory_space<vmem>>, vector<16xf32>,
          %parallel_loop3A_480 = arith.addf %parallel_loop3A_479, %parallel_loop3A_470 : vector<16xf32>
          %parallel_loop3A_481 = arith.maximumf %parallel_loop3A_475, %broadcast_in_dim3A_0 : vector<16xf32>
          %parallel_loop3A_482 = arith.index_cast %rem3A_246 : i32 to index
          %parallel_loop3A_483 = arith.index_cast %parallel_loop3A_397 : i32 to index
          %parallel_loop3A_484 = arith.constant 32 : index
          %parallel_loop3A_485 = tpu.vector_load %arg10[%parallel_loop3A_482, %parallel_loop3A_483, %parallel_loop3A_484] {strides = array<i32>} : memref<3x80x128xf32, #tpu.memory_space<vmem>>, vector<16xf32>,
          tpu.vector_store %arg10[%parallel_loop3A_482, %parallel_loop3A_483, %parallel_loop3A_484], %parallel_loop3A_481 {strides = array<i32>} : memref<3x80x128xf32, #tpu.memory_space<vmem>>, vector<16xf32>,
          %parallel_loop3A_486 = arith.maximumf %parallel_loop3A_480, %broadcast_in_dim3A_0 : vector<16xf32>
          %parallel_loop3A_487 = arith.index_cast %rem3A_246 : i32 to index
          %parallel_loop3A_488 = arith.index_cast %parallel_loop3A_397 : i32 to index
          %parallel_loop3A_489 = arith.constant 96 : index
          %parallel_loop3A_490 = tpu.vector_load %arg10[%parallel_loop3A_487, %parallel_loop3A_488, %parallel_loop3A_489] {strides = array<i32>} : memref<3x80x128xf32, #tpu.memory_space<vmem>>, vector<16xf32>,
          tpu.vector_store %arg10[%parallel_loop3A_487, %parallel_loop3A_488, %parallel_loop3A_489], %parallel_loop3A_486 {strides = array<i32>} : memref<3x80x128xf32, #tpu.memory_space<vmem>>, vector<16xf32>,
          %parallel_loop3A_491 = arith.index_cast %rem3A_246 : i32 to index
          %parallel_loop3A_492 = arith.index_cast %parallel_loop3A_265 : i32 to index
          %parallel_loop3A_493 = arith.constant 112 : index
          %parallel_loop3A_494 = tpu.vector_load %arg11[%parallel_loop3A_491, %parallel_loop3A_492, %parallel_loop3A_493] {strides = array<i32>} : memref<3x40x128xi32, #tpu.memory_space<vmem>>, vector<16xi32>,
          %parallel_loop3A_495 = arith.constant 16 : i32
          %parallel_loop3A_496 = vector.broadcast %parallel_loop3A_495 : i32 to vector<16xi32>
          %parallel_loop3A_497 = arith.shli %parallel_loop3A_494, %parallel_loop3A_496 : vector<16xi32>
          %parallel_loop3A_498 = vector.bitcast %parallel_loop3A_497 : vector<16xi32> to vector<16xf32>
          %parallel_loop3A_499 = vector.broadcast %scan3A_90 : i32 to vector<16xi32>
          %parallel_loop3A_500 = arith.andi %parallel_loop3A_494, %parallel_loop3A_499 : vector<16xi32>
          %parallel_loop3A_501 = vector.bitcast %parallel_loop3A_500 : vector<16xi32> to vector<16xf32>
          %parallel_loop3A_502 = arith.index_cast %rem3A_246 : i32 to index
          %parallel_loop3A_503 = arith.index_cast %parallel_loop3A_397 : i32 to index
          %parallel_loop3A_504 = arith.constant 48 : index
          %parallel_loop3A_505 = tpu.vector_load %arg10[%parallel_loop3A_502, %parallel_loop3A_503, %parallel_loop3A_504] {strides = array<i32>} : memref<3x80x128xf32, #tpu.memory_space<vmem>>, vector<16xf32>,
          %parallel_loop3A_506 = arith.addf %parallel_loop3A_505, %parallel_loop3A_498 : vector<16xf32>
          %parallel_loop3A_507 = arith.index_cast %rem3A_246 : i32 to index
          %parallel_loop3A_508 = arith.index_cast %parallel_loop3A_397 : i32 to index
          %parallel_loop3A_509 = arith.constant 112 : index
          %parallel_loop3A_510 = tpu.vector_load %arg10[%parallel_loop3A_507, %parallel_loop3A_508, %parallel_loop3A_509] {strides = array<i32>} : memref<3x80x128xf32, #tpu.memory_space<vmem>>, vector<16xf32>,
          %parallel_loop3A_511 = arith.addf %parallel_loop3A_510, %parallel_loop3A_501 : vector<16xf32>
          %parallel_loop3A_512 = arith.maximumf %parallel_loop3A_506, %broadcast_in_dim3A_0 : vector<16xf32>
          %parallel_loop3A_513 = arith.index_cast %rem3A_246 : i32 to index
          %parallel_loop3A_514 = arith.index_cast %parallel_loop3A_397 : i32 to index
          %parallel_loop3A_515 = arith.constant 48 : index
          %parallel_loop3A_516 = tpu.vector_load %arg10[%parallel_loop3A_513, %parallel_loop3A_514, %parallel_loop3A_515] {strides = array<i32>} : memref<3x80x128xf32, #tpu.memory_space<vmem>>, vector<16xf32>,
          tpu.vector_store %arg10[%parallel_loop3A_513, %parallel_loop3A_514, %parallel_loop3A_515], %parallel_loop3A_512 {strides = array<i32>} : memref<3x80x128xf32, #tpu.memory_space<vmem>>, vector<16xf32>,
          %parallel_loop3A_517 = arith.maximumf %parallel_loop3A_511, %broadcast_in_dim3A_0 : vector<16xf32>
          %parallel_loop3A_518 = arith.index_cast %rem3A_246 : i32 to index
          %parallel_loop3A_519 = arith.index_cast %parallel_loop3A_397 : i32 to index
          %parallel_loop3A_520 = arith.constant 112 : index
          %parallel_loop3A_521 = tpu.vector_load %arg10[%parallel_loop3A_518, %parallel_loop3A_519, %parallel_loop3A_520] {strides = array<i32>} : memref<3x80x128xf32, #tpu.memory_space<vmem>>, vector<16xf32>,
          tpu.vector_store %arg10[%parallel_loop3A_518, %parallel_loop3A_519, %parallel_loop3A_520], %parallel_loop3A_517 {strides = array<i32>} : memref<3x80x128xf32, #tpu.memory_space<vmem>>, vector<16xf32>,
        } {sc.loop_unroll_factor = 4 : i64, sc.parallel_access}
        %rem3A_249 = arith.constant 3 : i32
        %rem3A_250 = arith.remsi %sub3A_181, %rem3A_249 : i32
        %rem3A_251 = arith.constant 8 : i32
        %rem3A_252 = arith.remsi %sub3A_181, %rem3A_251 : i32
        %dma_start3A_253 = arith.constant 0 : i32
        %dma_start3A_254 = arith.constant 0 : i32
        %dma_start3A_255 = tpu.memref_slice %arg10[%rem3A_250, %dma_start3A_253, %dma_start3A_254] : memref<3x80x128xf32, #tpu.memory_space<vmem>> -> memref<1x80x128xf32, #tpu.memory_space<vmem>>
        %dma_start3A_256 = tpu.memref_squeeze %dma_start3A_255 : memref<1x80x128xf32, #tpu.memory_space<vmem>> -> memref<80x128xf32, #tpu.memory_space<vmem>>
        %dma_start3A_257 = arith.constant 0 : i32
        %dma_start3A_258 = tpu.memref_slice %arg9[%rem3A_252, %dma_start3A_257] : memref<8x80xi32, #tpu.memory_space<vmem>> -> memref<1x80xi32, #tpu.memory_space<vmem>>
        %dma_start3A_259 = tpu.memref_squeeze %dma_start3A_258 : memref<1x80xi32, #tpu.memory_space<vmem>> -> memref<80xi32, #tpu.memory_space<vmem>>
        %dma_start3A_260 = arith.constant 0 : i32
        %dma_start3A_261 = arith.constant 0 : i32
        %dma_start3A_262 = tpu.memref_slice %arg7[%dma_start3A_260, %dma_start3A_261] : memref<10000x128xf32, #tpu.memory_space<vmem_shared>> -> memref<10000x128xf32, #tpu.memory_space<vmem_shared>>
        %dma_start3A_263 = tpu.memref_slice %arg14[%rem3A_250] : memref<3x!tpu.dma_semaphore, #tpu.memory_space<semaphore_mem>> -> memref<1x!tpu.dma_semaphore, #tpu.memory_space<semaphore_mem>>
        %dma_start3A_264 = tpu.memref_squeeze %dma_start3A_263 : memref<1x!tpu.dma_semaphore, #tpu.memory_space<semaphore_mem>> -> memref<!tpu.dma_semaphore, #tpu.memory_space<semaphore_mem>>
        tpu.enqueue_indirect_dma source(%dma_start3A_256 : memref<80x128xf32, #tpu.memory_space<vmem>>) target(%dma_start3A_262 : memref<10000x128xf32, #tpu.memory_space<vmem_shared>>) offsets(%dma_start3A_259 : memref<80xi32, #tpu.memory_space<vmem>>) semaphore(%dma_start3A_264 : memref<!tpu.dma_semaphore, #tpu.memory_space<semaphore_mem>>) {add = true}
      } else {
      }
      %lt3A = arith.constant 125 : i32
      %lt3A_169 = arith.cmpi slt, %add3A_164, %lt3A : i32
      %convert_element_type3A_170 = arith.extui %lt3A_169 : i1 to i32
      %cond3A_171 = arith.constant 0 : i32
      %cond3A_172 = arith.cmpi ne, %convert_element_type3A_170, %cond3A_171 : i32
      scf.if %cond3A_172 {
        %rem3A_180 = arith.constant 8 : i32
        %rem3A_181 = arith.remsi %add3A_164, %rem3A_180 : i32
        %mul3A_182 = arith.constant 80 : i32
        %mul3A_183 = arith.muli %add3A_164, %mul3A_182 : i32
        %add3A_184 = arith.addi %mul3A_1, %mul3A_183 : i32
        %dma_wait3A_185 = arith.constant 0 : i32
        %dma_wait3A_186 = tpu.memref_slice %arg8[%rem3A_181, %dma_wait3A_185] : memref<8x80xi32, #tpu.memory_space<vmem>> -> memref<1x80xi32, #tpu.memory_space<vmem>>
        %dma_wait3A_187 = tpu.memref_squeeze %dma_wait3A_186 : memref<1x80xi32, #tpu.memory_space<vmem>> -> memref<80xi32, #tpu.memory_space<vmem>>
        %dma_wait3A_188 = tpu.memref_slice %arg4[%add3A_184] : memref<160000xi32, #tpu.memory_space<hbm>> -> memref<80xi32, #tpu.memory_space<hbm>>
        %dma_wait3A_189 = tpu.memref_slice %arg15[%rem3A_181] : memref<8x!tpu.dma_semaphore, #tpu.memory_space<semaphore_mem>> -> memref<1x!tpu.dma_semaphore, #tpu.memory_space<semaphore_mem>>
        %dma_wait3A_190 = tpu.memref_squeeze %dma_wait3A_189 : memref<1x!tpu.dma_semaphore, #tpu.memory_space<semaphore_mem>> -> memref<!tpu.dma_semaphore, #tpu.memory_space<semaphore_mem>>
        %dma_wait3A_191 = arith.constant 0 : i32
        %dma_wait3A_192 = tpu.memref_slice %arg8[%rem3A_181, %dma_wait3A_191] : memref<8x80xi32, #tpu.memory_space<vmem>> -> memref<1x80xi32, #tpu.memory_space<vmem>>
        %dma_wait3A_193 = tpu.memref_squeeze %dma_wait3A_192 : memref<1x80xi32, #tpu.memory_space<vmem>> -> memref<80xi32, #tpu.memory_space<vmem>>
        %dma_wait3A_194 = tpu.memref_slice %arg4[%add3A_184] : memref<160000xi32, #tpu.memory_space<hbm>> -> memref<80xi32, #tpu.memory_space<hbm>>
        tpu.wait_dma2 semaphore(%dma_wait3A_190 : memref<!tpu.dma_semaphore, #tpu.memory_space<semaphore_mem>>) src(%dma_wait3A_194 : memref<80xi32, #tpu.memory_space<hbm>>) dst(%dma_wait3A_193 : memref<80xi32, #tpu.memory_space<vmem>>)
        %dma_wait3A_195 = arith.constant 0 : i32
        %dma_wait3A_196 = tpu.memref_slice %arg9[%rem3A_181, %dma_wait3A_195] : memref<8x80xi32, #tpu.memory_space<vmem>> -> memref<1x80xi32, #tpu.memory_space<vmem>>
        %dma_wait3A_197 = tpu.memref_squeeze %dma_wait3A_196 : memref<1x80xi32, #tpu.memory_space<vmem>> -> memref<80xi32, #tpu.memory_space<vmem>>
        %dma_wait3A_198 = tpu.memref_slice %arg5[%add3A_184] : memref<160000xi32, #tpu.memory_space<hbm>> -> memref<80xi32, #tpu.memory_space<hbm>>
        %dma_wait3A_199 = tpu.memref_slice %arg15[%rem3A_181] : memref<8x!tpu.dma_semaphore, #tpu.memory_space<semaphore_mem>> -> memref<1x!tpu.dma_semaphore, #tpu.memory_space<semaphore_mem>>
        %dma_wait3A_200 = tpu.memref_squeeze %dma_wait3A_199 : memref<1x!tpu.dma_semaphore, #tpu.memory_space<semaphore_mem>> -> memref<!tpu.dma_semaphore, #tpu.memory_space<semaphore_mem>>
        %dma_wait3A_201 = arith.constant 0 : i32
        %dma_wait3A_202 = tpu.memref_slice %arg9[%rem3A_181, %dma_wait3A_201] : memref<8x80xi32, #tpu.memory_space<vmem>> -> memref<1x80xi32, #tpu.memory_space<vmem>>
        %dma_wait3A_203 = tpu.memref_squeeze %dma_wait3A_202 : memref<1x80xi32, #tpu.memory_space<vmem>> -> memref<80xi32, #tpu.memory_space<vmem>>
        %dma_wait3A_204 = tpu.memref_slice %arg5[%add3A_184] : memref<160000xi32, #tpu.memory_space<hbm>> -> memref<80xi32, #tpu.memory_space<hbm>>
        tpu.wait_dma2 semaphore(%dma_wait3A_200 : memref<!tpu.dma_semaphore, #tpu.memory_space<semaphore_mem>>) src(%dma_wait3A_204 : memref<80xi32, #tpu.memory_space<hbm>>) dst(%dma_wait3A_203 : memref<80xi32, #tpu.memory_space<vmem>>)
        %ge3A_205 = arith.constant 3 : i32
        %ge3A_206 = arith.cmpi sge, %add3A_164, %ge3A_205 : i32
        %convert_element_type3A_207 = arith.extui %ge3A_206 : i1 to i32
        %cond3A_208 = arith.constant 0 : i32
        %cond3A_209 = arith.cmpi ne, %convert_element_type3A_207, %cond3A_208 : i32
        scf.if %cond3A_209 {
          %sub3A_273 = arith.constant 3 : i32
          %sub3A_274 = arith.subi %add3A_164, %sub3A_273 : i32
          %rem3A_275 = arith.constant 3 : i32
          %rem3A_276 = arith.remsi %sub3A_274, %rem3A_275 : i32
          %rem3A_277 = arith.constant 8 : i32
          %rem3A_278 = arith.remsi %sub3A_274, %rem3A_277 : i32
          %dma_wait3A_279 = arith.constant 0 : i32
          %dma_wait3A_280 = arith.constant 0 : i32
          %dma_wait3A_281 = tpu.memref_slice %arg10[%rem3A_276, %dma_wait3A_279, %dma_wait3A_280] : memref<3x80x128xf32, #tpu.memory_space<vmem>> -> memref<1x80x128xf32, #tpu.memory_space<vmem>>
          %dma_wait3A_282 = tpu.memref_squeeze %dma_wait3A_281 : memref<1x80x128xf32, #tpu.memory_space<vmem>> -> memref<80x128xf32, #tpu.memory_space<vmem>>
          %dma_wait3A_283 = arith.constant 0 : i32
          %dma_wait3A_284 = tpu.memref_slice %arg9[%rem3A_278, %dma_wait3A_283] : memref<8x80xi32, #tpu.memory_space<vmem>> -> memref<1x80xi32, #tpu.memory_space<vmem>>
          %dma_wait3A_285 = tpu.memref_squeeze %dma_wait3A_284 : memref<1x80xi32, #tpu.memory_space<vmem>> -> memref<80xi32, #tpu.memory_space<vmem>>
          %dma_wait3A_286 = arith.constant 0 : i32
          %dma_wait3A_287 = arith.constant 0 : i32
          %dma_wait3A_288 = tpu.memref_slice %arg7[%dma_wait3A_286, %dma_wait3A_287] : memref<10000x128xf32, #tpu.memory_space<vmem_shared>> -> memref<10000x128xf32, #tpu.memory_space<vmem_shared>>
          %dma_wait3A_289 = tpu.memref_slice %arg14[%rem3A_276] : memref<3x!tpu.dma_semaphore, #tpu.memory_space<semaphore_mem>> -> memref<1x!tpu.dma_semaphore, #tpu.memory_space<semaphore_mem>>
          %dma_wait3A_290 = tpu.memref_squeeze %dma_wait3A_289 : memref<1x!tpu.dma_semaphore, #tpu.memory_space<semaphore_mem>> -> memref<!tpu.dma_semaphore, #tpu.memory_space<semaphore_mem>>
          tpu.wait_indirect_dma semaphore(%dma_wait3A_290 : memref<!tpu.dma_semaphore, #tpu.memory_space<semaphore_mem>>) src(%dma_wait3A_282 : memref<80x128xf32, #tpu.memory_space<vmem>>) dst(%dma_wait3A_288 : memref<10000x128xf32, #tpu.memory_space<vmem_shared>>)
        } else {
        }
        %rem3A_210 = arith.constant 3 : i32
        %rem3A_211 = arith.remsi %add3A_164, %rem3A_210 : i32
        %rem3A_212 = arith.constant 8 : i32
        %rem3A_213 = arith.remsi %add3A_164, %rem3A_212 : i32
        %mul3A_214 = arith.constant 80 : i32
        %mul3A_215 = arith.muli %add3A_164, %mul3A_214 : i32
        %add3A_216 = arith.addi %mul3A_1, %mul3A_215 : i32
        %jit3A = arith.constant 2 : i32
        %div3A = arith.divsi %add3A_216, %jit3A : i32
        %sign3A = arith.constant 0 : i32
        %sign3A_217 = arith.cmpi sgt, %add3A_216, %sign3A : i32
        %sign3A_218 = arith.extui %sign3A_217 : i1 to i32
        %sign3A_219 = arith.constant 0 : i32
        %sign3A_220 = arith.cmpi slt, %add3A_216, %sign3A_219 : i32
        %sign3A_221 = arith.extui %sign3A_220 : i1 to i32
        %sign3A_222 = arith.subi %sign3A_218, %sign3A_221 : i32
        %sign3A_223 = arith.constant 0 : i32
        %sign3A_224 = arith.cmpi sgt, %jit3A, %sign3A_223 : i32
        %sign3A_225 = arith.extui %sign3A_224 : i1 to i32
        %sign3A_226 = arith.constant 0 : i32
        %sign3A_227 = arith.cmpi slt, %jit3A, %sign3A_226 : i32
        %sign3A_228 = arith.extui %sign3A_227 : i1 to i32
        %sign3A_229 = arith.subi %sign3A_225, %sign3A_228 : i32
        %ne3A = arith.cmpi ne, %sign3A_222, %sign3A_229 : i32
        %rem3A_230 = arith.remsi %add3A_216, %jit3A : i32
        %ne3A_231 = arith.constant 0 : i32
        %ne3A_232 = arith.cmpi ne, %rem3A_230, %ne3A_231 : i32
        %and3A = arith.andi %ne3A, %ne3A_232 : i1
        %sub3A_233 = arith.constant 1 : i32
        %sub3A_234 = arith.subi %div3A, %sub3A_233 : i32
        %select_n3A = arith.select %and3A, %sub3A_234, %div3A : i32
        %multiple_of3A = tpu.assume_multiple %select_n3A, 8 : i32
        %dma_start3A_235 = arith.constant 0 : i32
        %dma_start3A_236 = arith.constant 0 : i32
        %dma_start3A_237 = tpu.memref_slice %arg10[%rem3A_211, %dma_start3A_235, %dma_start3A_236] : memref<3x80x128xf32, #tpu.memory_space<vmem>> -> memref<1x80x128xf32, #tpu.memory_space<vmem>>
        %dma_start3A_238 = tpu.memref_squeeze %dma_start3A_237 : memref<1x80x128xf32, #tpu.memory_space<vmem>> -> memref<80x128xf32, #tpu.memory_space<vmem>>
        %dma_start3A_239 = arith.constant 0 : i32
        %dma_start3A_240 = tpu.memref_slice %arg8[%rem3A_213, %dma_start3A_239] : memref<8x80xi32, #tpu.memory_space<vmem>> -> memref<1x80xi32, #tpu.memory_space<vmem>>
        %dma_start3A_241 = tpu.memref_squeeze %dma_start3A_240 : memref<1x80xi32, #tpu.memory_space<vmem>> -> memref<80xi32, #tpu.memory_space<vmem>>
        %dma_start3A_242 = arith.constant 0 : i32
        %dma_start3A_243 = arith.constant 0 : i32
        %dma_start3A_244 = tpu.memref_slice %arg2[%arg0, %dma_start3A_242, %dma_start3A_243] : memref<2x10000x128xf32, #tpu.memory_space<hbm>> -> memref<1x10000x128xf32, #tpu.memory_space<hbm>>
        %dma_start3A_245 = tpu.memref_squeeze %dma_start3A_244 : memref<1x10000x128xf32, #tpu.memory_space<hbm>> -> memref<10000x128xf32, #tpu.memory_space<hbm>>
        %dma_start3A_246 = arith.constant 0 : i32
        %dma_start3A_247 = arith.constant 0 : i32
        %dma_start3A_248 = tpu.memref_slice %dma_start3A_245[%dma_start3A_246, %dma_start3A_247] : memref<10000x128xf32, #tpu.memory_space<hbm>> -> memref<10000x128xf32, #tpu.memory_space<hbm>>
        %dma_start3A_249 = tpu.memref_slice %arg12[%rem3A_211] : memref<3x!tpu.dma_semaphore, #tpu.memory_space<semaphore_mem>> -> memref<1x!tpu.dma_semaphore, #tpu.memory_space<semaphore_mem>>
        %dma_start3A_250 = tpu.memref_squeeze %dma_start3A_249 : memref<1x!tpu.dma_semaphore, #tpu.memory_space<semaphore_mem>> -> memref<!tpu.dma_semaphore, #tpu.memory_space<semaphore_mem>>
        tpu.enqueue_indirect_dma source(%dma_start3A_248 : memref<10000x128xf32, #tpu.memory_space<hbm>>) target(%dma_start3A_238 : memref<80x128xf32, #tpu.memory_space<vmem>>) offsets(%dma_start3A_241 : memref<80xi32, #tpu.memory_space<vmem>>) semaphore(%dma_start3A_250 : memref<!tpu.dma_semaphore, #tpu.memory_space<semaphore_mem>>)
        %dma_start3A_251 = arith.constant 0 : i32
        %dma_start3A_252 = arith.constant 0 : i32
        %dma_start3A_253 = tpu.memref_slice %arg11[%rem3A_211, %dma_start3A_251, %dma_start3A_252] : memref<3x40x128xi32, #tpu.memory_space<vmem>> -> memref<1x40x128xi32, #tpu.memory_space<vmem>>
        %dma_start3A_254 = tpu.memref_squeeze %dma_start3A_253 : memref<1x40x128xi32, #tpu.memory_space<vmem>> -> memref<40x128xi32, #tpu.memory_space<vmem>>
        %dma_start3A_255 = arith.constant 0 : i32
        %dma_start3A_256 = arith.constant 0 : i32
        %dma_start3A_257 = tpu.memref_slice %arg3[%arg0, %dma_start3A_255, %dma_start3A_256] : memref<2x80000x128xi32, #tpu.memory_space<hbm>> -> memref<1x80000x128xi32, #tpu.memory_space<hbm>>
        %dma_start3A_258 = tpu.memref_squeeze %dma_start3A_257 : memref<1x80000x128xi32, #tpu.memory_space<hbm>> -> memref<80000x128xi32, #tpu.memory_space<hbm>>
        %dma_start3A_259 = arith.constant 0 : i32
        %dma_start3A_260 = tpu.memref_slice %dma_start3A_258[%multiple_of3A, %dma_start3A_259] : memref<80000x128xi32, #tpu.memory_space<hbm>> -> memref<40x128xi32, #tpu.memory_space<hbm>>
        %dma_start3A_261 = tpu.memref_slice %arg13[%rem3A_211] : memref<3x!tpu.dma_semaphore, #tpu.memory_space<semaphore_mem>> -> memref<1x!tpu.dma_semaphore, #tpu.memory_space<semaphore_mem>>
        %dma_start3A_262 = tpu.memref_squeeze %dma_start3A_261 : memref<1x!tpu.dma_semaphore, #tpu.memory_space<semaphore_mem>> -> memref<!tpu.dma_semaphore, #tpu.memory_space<semaphore_mem>>
        %dma_start3A_263 = arith.constant 0 : i32
        %dma_start3A_264 = arith.constant 0 : i32
        %dma_start3A_265 = tpu.memref_slice %arg11[%rem3A_211, %dma_start3A_263, %dma_start3A_264] : memref<3x40x128xi32, #tpu.memory_space<vmem>> -> memref<1x40x128xi32, #tpu.memory_space<vmem>>
        %dma_start3A_266 = tpu.memref_squeeze %dma_start3A_265 : memref<1x40x128xi32, #tpu.memory_space<vmem>> -> memref<40x128xi32, #tpu.memory_space<vmem>>
        %dma_start3A_267 = arith.constant 0 : i32
        %dma_start3A_268 = arith.constant 0 : i32
        %dma_start3A_269 = tpu.memref_slice %arg3[%arg0, %dma_start3A_267, %dma_start3A_268] : memref<2x80000x128xi32, #tpu.memory_space<hbm>> -> memref<1x80000x128xi32, #tpu.memory_space<hbm>>
        %dma_start3A_270 = tpu.memref_squeeze %dma_start3A_269 : memref<1x80000x128xi32, #tpu.memory_space<hbm>> -> memref<80000x128xi32, #tpu.memory_space<hbm>>
        %dma_start3A_271 = arith.constant 0 : i32
        %dma_start3A_272 = tpu.memref_slice %dma_start3A_270[%multiple_of3A, %dma_start3A_271] : memref<80000x128xi32, #tpu.memory_space<hbm>> -> memref<40x128xi32, #tpu.memory_space<hbm>>
        tpu.enqueue_dma source(%dma_start3A_272 : memref<40x128xi32, #tpu.memory_space<hbm>>) target(%dma_start3A_266 : memref<40x128xi32, #tpu.memory_space<vmem>>) target_semaphore(%dma_start3A_262 : memref<!tpu.dma_semaphore, #tpu.memory_space<semaphore_mem>>)
      } else {
      }
      %add3A_173 = arith.constant 3 : i32
      %add3A_174 = arith.addi %add3A_164, %add3A_173 : i32
      %lt3A_175 = arith.constant 125 : i32
      %lt3A_176 = arith.cmpi slt, %add3A_174, %lt3A_175 : i32
      %convert_element_type3A_177 = arith.extui %lt3A_176 : i1 to i32
      %cond3A_178 = arith.constant 0 : i32
      %cond3A_179 = arith.cmpi ne, %convert_element_type3A_177, %cond3A_178 : i32
      scf.if %cond3A_179 {
        %add3A_180 = arith.constant 3 : i32
        %add3A_181 = arith.addi %add3A_164, %add3A_180 : i32
        %rem3A_182 = arith.constant 8 : i32
        %rem3A_183 = arith.remsi %add3A_181, %rem3A_182 : i32
        %mul3A_184 = arith.constant 80 : i32
        %mul3A_185 = arith.muli %add3A_181, %mul3A_184 : i32
        %add3A_186 = arith.addi %mul3A_1, %mul3A_185 : i32
        %dma_start3A_187 = arith.constant 0 : i32
        %dma_start3A_188 = tpu.memref_slice %arg8[%rem3A_183, %dma_start3A_187] : memref<8x80xi32, #tpu.memory_space<vmem>> -> memref<1x80xi32, #tpu.memory_space<vmem>>
        %dma_start3A_189 = tpu.memref_squeeze %dma_start3A_188 : memref<1x80xi32, #tpu.memory_space<vmem>> -> memref<80xi32, #tpu.memory_space<vmem>>
        %dma_start3A_190 = tpu.memref_slice %arg4[%add3A_186] : memref<160000xi32, #tpu.memory_space<hbm>> -> memref<80xi32, #tpu.memory_space<hbm>>
        %dma_start3A_191 = tpu.memref_slice %arg15[%rem3A_183] : memref<8x!tpu.dma_semaphore, #tpu.memory_space<semaphore_mem>> -> memref<1x!tpu.dma_semaphore, #tpu.memory_space<semaphore_mem>>
        %dma_start3A_192 = tpu.memref_squeeze %dma_start3A_191 : memref<1x!tpu.dma_semaphore, #tpu.memory_space<semaphore_mem>> -> memref<!tpu.dma_semaphore, #tpu.memory_space<semaphore_mem>>
        %dma_start3A_193 = arith.constant 0 : i32
        %dma_start3A_194 = tpu.memref_slice %arg8[%rem3A_183, %dma_start3A_193] : memref<8x80xi32, #tpu.memory_space<vmem>> -> memref<1x80xi32, #tpu.memory_space<vmem>>
        %dma_start3A_195 = tpu.memref_squeeze %dma_start3A_194 : memref<1x80xi32, #tpu.memory_space<vmem>> -> memref<80xi32, #tpu.memory_space<vmem>>
        %dma_start3A_196 = tpu.memref_slice %arg4[%add3A_186] : memref<160000xi32, #tpu.memory_space<hbm>> -> memref<80xi32, #tpu.memory_space<hbm>>
        tpu.enqueue_dma source(%dma_start3A_196 : memref<80xi32, #tpu.memory_space<hbm>>) target(%dma_start3A_195 : memref<80xi32, #tpu.memory_space<vmem>>) target_semaphore(%dma_start3A_192 : memref<!tpu.dma_semaphore, #tpu.memory_space<semaphore_mem>>)
        %dma_start3A_197 = arith.constant 0 : i32
        %dma_start3A_198 = tpu.memref_slice %arg9[%rem3A_183, %dma_start3A_197] : memref<8x80xi32, #tpu.memory_space<vmem>> -> memref<1x80xi32, #tpu.memory_space<vmem>>
        %dma_start3A_199 = tpu.memref_squeeze %dma_start3A_198 : memref<1x80xi32, #tpu.memory_space<vmem>> -> memref<80xi32, #tpu.memory_space<vmem>>
        %dma_start3A_200 = tpu.memref_slice %arg5[%add3A_186] : memref<160000xi32, #tpu.memory_space<hbm>> -> memref<80xi32, #tpu.memory_space<hbm>>
        %dma_start3A_201 = tpu.memref_slice %arg15[%rem3A_183] : memref<8x!tpu.dma_semaphore, #tpu.memory_space<semaphore_mem>> -> memref<1x!tpu.dma_semaphore, #tpu.memory_space<semaphore_mem>>
        %dma_start3A_202 = tpu.memref_squeeze %dma_start3A_201 : memref<1x!tpu.dma_semaphore, #tpu.memory_space<semaphore_mem>> -> memref<!tpu.dma_semaphore, #tpu.memory_space<semaphore_mem>>
        %dma_start3A_203 = arith.constant 0 : i32
        %dma_start3A_204 = tpu.memref_slice %arg9[%rem3A_183, %dma_start3A_203] : memref<8x80xi32, #tpu.memory_space<vmem>> -> memref<1x80xi32, #tpu.memory_space<vmem>>
        %dma_start3A_205 = tpu.memref_squeeze %dma_start3A_204 : memref<1x80xi32, #tpu.memory_space<vmem>> -> memref<80xi32, #tpu.memory_space<vmem>>
        %dma_start3A_206 = tpu.memref_slice %arg5[%add3A_186] : memref<160000xi32, #tpu.memory_space<hbm>> -> memref<80xi32, #tpu.memory_space<hbm>>
        tpu.enqueue_dma source(%dma_start3A_206 : memref<80xi32, #tpu.memory_space<hbm>>) target(%dma_start3A_205 : memref<80xi32, #tpu.memory_space<vmem>>) target_semaphore(%dma_start3A_202 : memref<!tpu.dma_semaphore, #tpu.memory_space<semaphore_mem>>)
      } else {
      }
    }
    %scan3A_95 = arith.constant 127 : i32
    %rem3A_96 = arith.constant 122 : i32
    %rem3A_97 = arith.constant 3 : i32
    %rem3A_98 = arith.remsi %rem3A_96, %rem3A_97 : i32
    %rem3A_99 = arith.constant 122 : i32
    %rem3A_100 = arith.constant 8 : i32
    %rem3A_101 = arith.remsi %rem3A_99, %rem3A_100 : i32
    %dma_wait3A = arith.constant 0 : i32
    %dma_wait3A_102 = arith.constant 0 : i32
    %dma_wait3A_103 = tpu.memref_slice %arg10[%rem3A_98, %dma_wait3A, %dma_wait3A_102] : memref<3x80x128xf32, #tpu.memory_space<vmem>> -> memref<1x80x128xf32, #tpu.memory_space<vmem>>
    %dma_wait3A_104 = tpu.memref_squeeze %dma_wait3A_103 : memref<1x80x128xf32, #tpu.memory_space<vmem>> -> memref<80x128xf32, #tpu.memory_space<vmem>>
    %dma_wait3A_105 = arith.constant 0 : i32
    %dma_wait3A_106 = tpu.memref_slice %arg9[%rem3A_101, %dma_wait3A_105] : memref<8x80xi32, #tpu.memory_space<vmem>> -> memref<1x80xi32, #tpu.memory_space<vmem>>
    %dma_wait3A_107 = tpu.memref_squeeze %dma_wait3A_106 : memref<1x80xi32, #tpu.memory_space<vmem>> -> memref<80xi32, #tpu.memory_space<vmem>>
    %dma_wait3A_108 = arith.constant 0 : i32
    %dma_wait3A_109 = arith.constant 0 : i32
    %dma_wait3A_110 = tpu.memref_slice %arg7[%dma_wait3A_108, %dma_wait3A_109] : memref<10000x128xf32, #tpu.memory_space<vmem_shared>> -> memref<10000x128xf32, #tpu.memory_space<vmem_shared>>
    %dma_wait3A_111 = tpu.memref_slice %arg14[%rem3A_98] : memref<3x!tpu.dma_semaphore, #tpu.memory_space<semaphore_mem>> -> memref<1x!tpu.dma_semaphore, #tpu.memory_space<semaphore_mem>>
    %dma_wait3A_112 = tpu.memref_squeeze %dma_wait3A_111 : memref<1x!tpu.dma_semaphore, #tpu.memory_space<semaphore_mem>> -> memref<!tpu.dma_semaphore, #tpu.memory_space<semaphore_mem>>
    tpu.wait_indirect_dma semaphore(%dma_wait3A_112 : memref<!tpu.dma_semaphore, #tpu.memory_space<semaphore_mem>>) src(%dma_wait3A_104 : memref<80x128xf32, #tpu.memory_space<vmem>>) dst(%dma_wait3A_110 : memref<10000x128xf32, #tpu.memory_space<vmem_shared>>)
    %rem3A_113 = arith.constant 123 : i32
    %rem3A_114 = arith.constant 3 : i32
    %rem3A_115 = arith.remsi %rem3A_113, %rem3A_114 : i32
    %rem3A_116 = arith.constant 123 : i32
    %rem3A_117 = arith.constant 8 : i32
    %rem3A_118 = arith.remsi %rem3A_116, %rem3A_117 : i32
    %dma_wait3A_119 = arith.constant 0 : i32
    %dma_wait3A_120 = arith.constant 0 : i32
    %dma_wait3A_121 = tpu.memref_slice %arg10[%rem3A_115, %dma_wait3A_119, %dma_wait3A_120] : memref<3x80x128xf32, #tpu.memory_space<vmem>> -> memref<1x80x128xf32, #tpu.memory_space<vmem>>
    %dma_wait3A_122 = tpu.memref_squeeze %dma_wait3A_121 : memref<1x80x128xf32, #tpu.memory_space<vmem>> -> memref<80x128xf32, #tpu.memory_space<vmem>>
    %dma_wait3A_123 = arith.constant 0 : i32
    %dma_wait3A_124 = tpu.memref_slice %arg9[%rem3A_118, %dma_wait3A_123] : memref<8x80xi32, #tpu.memory_space<vmem>> -> memref<1x80xi32, #tpu.memory_space<vmem>>
    %dma_wait3A_125 = tpu.memref_squeeze %dma_wait3A_124 : memref<1x80xi32, #tpu.memory_space<vmem>> -> memref<80xi32, #tpu.memory_space<vmem>>
    %dma_wait3A_126 = arith.constant 0 : i32
    %dma_wait3A_127 = arith.constant 0 : i32
    %dma_wait3A_128 = tpu.memref_slice %arg7[%dma_wait3A_126, %dma_wait3A_127] : memref<10000x128xf32, #tpu.memory_space<vmem_shared>> -> memref<10000x128xf32, #tpu.memory_space<vmem_shared>>
    %dma_wait3A_129 = tpu.memref_slice %arg14[%rem3A_115] : memref<3x!tpu.dma_semaphore, #tpu.memory_space<semaphore_mem>> -> memref<1x!tpu.dma_semaphore, #tpu.memory_space<semaphore_mem>>
    %dma_wait3A_130 = tpu.memref_squeeze %dma_wait3A_129 : memref<1x!tpu.dma_semaphore, #tpu.memory_space<semaphore_mem>> -> memref<!tpu.dma_semaphore, #tpu.memory_space<semaphore_mem>>
    tpu.wait_indirect_dma semaphore(%dma_wait3A_130 : memref<!tpu.dma_semaphore, #tpu.memory_space<semaphore_mem>>) src(%dma_wait3A_122 : memref<80x128xf32, #tpu.memory_space<vmem>>) dst(%dma_wait3A_128 : memref<10000x128xf32, #tpu.memory_space<vmem_shared>>)
    %rem3A_131 = arith.constant 124 : i32
    %rem3A_132 = arith.constant 3 : i32
    %rem3A_133 = arith.remsi %rem3A_131, %rem3A_132 : i32
    %rem3A_134 = arith.constant 124 : i32
    %rem3A_135 = arith.constant 8 : i32
    %rem3A_136 = arith.remsi %rem3A_134, %rem3A_135 : i32
    %dma_wait3A_137 = arith.constant 0 : i32
    %dma_wait3A_138 = arith.constant 0 : i32
    %dma_wait3A_139 = tpu.memref_slice %arg10[%rem3A_133, %dma_wait3A_137, %dma_wait3A_138] : memref<3x80x128xf32, #tpu.memory_space<vmem>> -> memref<1x80x128xf32, #tpu.memory_space<vmem>>
    %dma_wait3A_140 = tpu.memref_squeeze %dma_wait3A_139 : memref<1x80x128xf32, #tpu.memory_space<vmem>> -> memref<80x128xf32, #tpu.memory_space<vmem>>
    %dma_wait3A_141 = arith.constant 0 : i32
    %dma_wait3A_142 = tpu.memref_slice %arg9[%rem3A_136, %dma_wait3A_141] : memref<8x80xi32, #tpu.memory_space<vmem>> -> memref<1x80xi32, #tpu.memory_space<vmem>>
    %dma_wait3A_143 = tpu.memref_squeeze %dma_wait3A_142 : memref<1x80xi32, #tpu.memory_space<vmem>> -> memref<80xi32, #tpu.memory_space<vmem>>
    %dma_wait3A_144 = arith.constant 0 : i32
    %dma_wait3A_145 = arith.constant 0 : i32
    %dma_wait3A_146 = tpu.memref_slice %arg7[%dma_wait3A_144, %dma_wait3A_145] : memref<10000x128xf32, #tpu.memory_space<vmem_shared>> -> memref<10000x128xf32, #tpu.memory_space<vmem_shared>>
    %dma_wait3A_147 = tpu.memref_slice %arg14[%rem3A_133] : memref<3x!tpu.dma_semaphore, #tpu.memory_space<semaphore_mem>> -> memref<1x!tpu.dma_semaphore, #tpu.memory_space<semaphore_mem>>
    %dma_wait3A_148 = tpu.memref_squeeze %dma_wait3A_147 : memref<1x!tpu.dma_semaphore, #tpu.memory_space<semaphore_mem>> -> memref<!tpu.dma_semaphore, #tpu.memory_space<semaphore_mem>>
    tpu.wait_indirect_dma semaphore(%dma_wait3A_148 : memref<!tpu.dma_semaphore, #tpu.memory_space<semaphore_mem>>) src(%dma_wait3A_140 : memref<80x128xf32, #tpu.memory_space<vmem>>) dst(%dma_wait3A_146 : memref<10000x128xf32, #tpu.memory_space<vmem_shared>>)
    %barrier3A_149 = arith.constant 0 : index
    tpu.barrier barrier_id(%barrier3A_149)
    %scan3A_150 = arith.constant 0 : i32
    %scan3A_151 = arith.constant 3 : i32
    %scan3A_152 = arith.addi %scan3A_150, %scan3A_151 : i32
    %scan3A_153 = arith.constant 1 : i32
    scf.for %scan3A_160 = %scan3A_150 to %scan3A_152 step %scan3A_153  : i32 {
      %mul3A_161 = arith.constant 1 : i32
      %mul3A_162 = arith.muli %scan3A_160, %mul3A_161 : i32
      %add3A_163 = arith.constant 0 : i32
      %add3A_164 = arith.addi %add3A_163, %mul3A_162 : i32
      %mul3A_165 = arith.constant 624 : i32
      %mul3A_166 = arith.muli %arg1, %mul3A_165 : i32
      %mul3A_167 = arith.constant 208 : i32
      %mul3A_168 = arith.muli %add3A_164, %mul3A_167 : i32
      %add3A_169 = arith.addi %mul3A_166, %mul3A_168 : i32
      "tpu.region"() ({
        %run_scoped3A_170 = tpu.sem_alloc : memref<!tpu.dma_semaphore, #tpu.memory_space<semaphore_mem>>
        %dma_start3A_171 = arith.constant 0 : i32
        %dma_start3A_172 = arith.constant 0 : i32
        %dma_start3A_173 = tpu.memref_slice %arg6[%arg0, %dma_start3A_171, %dma_start3A_172] : memref<2x10000x128xf32, #tpu.memory_space<hbm>> -> memref<1x10000x128xf32, #tpu.memory_space<hbm>>
        %dma_start3A_174 = tpu.memref_squeeze %dma_start3A_173 : memref<1x10000x128xf32, #tpu.memory_space<hbm>> -> memref<10000x128xf32, #tpu.memory_space<hbm>>
        %dma_start3A_175 = arith.constant 0 : i32
        %dma_start3A_176 = tpu.memref_slice %dma_start3A_174[%add3A_169, %dma_start3A_175] : memref<10000x128xf32, #tpu.memory_space<hbm>> -> memref<208x128xf32, #tpu.memory_space<hbm>>
        %dma_start3A_177 = arith.constant 0 : i32
        %dma_start3A_178 = tpu.memref_slice %arg7[%add3A_169, %dma_start3A_177] : memref<10000x128xf32, #tpu.memory_space<vmem_shared>> -> memref<208x128xf32, #tpu.memory_space<vmem_shared>>
        tpu.enqueue_dma source(%dma_start3A_178 : memref<208x128xf32, #tpu.memory_space<vmem_shared>>) target(%dma_start3A_176 : memref<208x128xf32, #tpu.memory_space<hbm>>) target_semaphore(%run_scoped3A_170 : memref<!tpu.dma_semaphore, #tpu.memory_space<semaphore_mem>>)
        %dma_wait3A_179 = arith.constant 0 : i32
        %dma_wait3A_180 = arith.constant 0 : i32
        %dma_wait3A_181 = tpu.memref_slice %arg6[%arg0, %dma_wait3A_179, %dma_wait3A_180] : memref<2x10000x128xf32, #tpu.memory_space<hbm>> -> memref<1x10000x128xf32, #tpu.memory_space<hbm>>
        %dma_wait3A_182 = tpu.memref_squeeze %dma_wait3A_181 : memref<1x10000x128xf32, #tpu.memory_space<hbm>> -> memref<10000x128xf32, #tpu.memory_space<hbm>>
        %dma_wait3A_183 = arith.constant 0 : i32
        %dma_wait3A_184 = tpu.memref_slice %dma_wait3A_182[%add3A_169, %dma_wait3A_183] : memref<10000x128xf32, #tpu.memory_space<hbm>> -> memref<208x128xf32, #tpu.memory_space<hbm>>
        %dma_wait3A_185 = arith.constant 0 : i32
        %dma_wait3A_186 = tpu.memref_slice %arg7[%add3A_169, %dma_wait3A_185] : memref<10000x128xf32, #tpu.memory_space<vmem_shared>> -> memref<208x128xf32, #tpu.memory_space<vmem_shared>>
        tpu.wait_dma2 semaphore(%run_scoped3A_170 : memref<!tpu.dma_semaphore, #tpu.memory_space<semaphore_mem>>) src(%dma_wait3A_186 : memref<208x128xf32, #tpu.memory_space<vmem_shared>>) dst(%dma_wait3A_184 : memref<208x128xf32, #tpu.memory_space<hbm>>)
        tpu.yield
      }) : () -> ()
    }
    %scan3A_154 = arith.constant 3 : i32
    %eq3A_155 = arith.constant 15 : i32
    %eq3A_156 = arith.cmpi eq, %arg1, %eq3A_155 : i32
    %convert_element_type3A_157 = arith.extui %eq3A_156 : i1 to i32
    %cond3A_158 = arith.constant 0 : i32
    %cond3A_159 = arith.cmpi ne, %convert_element_type3A_157, %cond3A_158 : i32
    scf.if %cond3A_159 {
      "tpu.region"() ({
        %run_scoped3A_160 = tpu.sem_alloc : memref<!tpu.dma_semaphore, #tpu.memory_space<semaphore_mem>>
        %dma_start3A_161 = arith.constant 0 : i32
        %dma_start3A_162 = arith.constant 0 : i32
        %dma_start3A_163 = tpu.memref_slice %arg6[%arg0, %dma_start3A_161, %dma_start3A_162] : memref<2x10000x128xf32, #tpu.memory_space<hbm>> -> memref<1x10000x128xf32, #tpu.memory_space<hbm>>
        %dma_start3A_164 = tpu.memref_squeeze %dma_start3A_163 : memref<1x10000x128xf32, #tpu.memory_space<hbm>> -> memref<10000x128xf32, #tpu.memory_space<hbm>>
        %dma_start3A_165 = arith.constant 9984 : i32
        %dma_start3A_166 = arith.constant 0 : i32
        %dma_start3A_167 = tpu.memref_slice %dma_start3A_164[%dma_start3A_165, %dma_start3A_166] : memref<10000x128xf32, #tpu.memory_space<hbm>> -> memref<16x128xf32, #tpu.memory_space<hbm>>
        %dma_start3A_168 = arith.constant 9984 : i32
        %dma_start3A_169 = arith.constant 0 : i32
        %dma_start3A_170 = tpu.memref_slice %arg7[%dma_start3A_168, %dma_start3A_169] : memref<10000x128xf32, #tpu.memory_space<vmem_shared>> -> memref<16x128xf32, #tpu.memory_space<vmem_shared>>
        tpu.enqueue_dma source(%dma_start3A_170 : memref<16x128xf32, #tpu.memory_space<vmem_shared>>) target(%dma_start3A_167 : memref<16x128xf32, #tpu.memory_space<hbm>>) target_semaphore(%run_scoped3A_160 : memref<!tpu.dma_semaphore, #tpu.memory_space<semaphore_mem>>)
        %dma_wait3A_171 = arith.constant 0 : i32
        %dma_wait3A_172 = arith.constant 0 : i32
        %dma_wait3A_173 = tpu.memref_slice %arg6[%arg0, %dma_wait3A_171, %dma_wait3A_172] : memref<2x10000x128xf32, #tpu.memory_space<hbm>> -> memref<1x10000x128xf32, #tpu.memory_space<hbm>>
        %dma_wait3A_174 = tpu.memref_squeeze %dma_wait3A_173 : memref<1x10000x128xf32, #tpu.memory_space<hbm>> -> memref<10000x128xf32, #tpu.memory_space<hbm>>
        %dma_wait3A_175 = arith.constant 9984 : i32
        %dma_wait3A_176 = arith.constant 0 : i32
        %dma_wait3A_177 = tpu.memref_slice %dma_wait3A_174[%dma_wait3A_175, %dma_wait3A_176] : memref<10000x128xf32, #tpu.memory_space<hbm>> -> memref<16x128xf32, #tpu.memory_space<hbm>>
        %dma_wait3A_178 = arith.constant 9984 : i32
        %dma_wait3A_179 = arith.constant 0 : i32
        %dma_wait3A_180 = tpu.memref_slice %arg7[%dma_wait3A_178, %dma_wait3A_179] : memref<10000x128xf32, #tpu.memory_space<vmem_shared>> -> memref<16x128xf32, #tpu.memory_space<vmem_shared>>
        tpu.wait_dma2 semaphore(%run_scoped3A_160 : memref<!tpu.dma_semaphore, #tpu.memory_space<semaphore_mem>>) src(%dma_wait3A_180 : memref<16x128xf32, #tpu.memory_space<vmem_shared>>) dst(%dma_wait3A_177 : memref<16x128xf32, #tpu.memory_space<hbm>>)
        tpu.yield
      }) : () -> ()
    } else {
    }
    return
  }
}

module attributes {stable_mosaic.version = 14 : i64} {
  func.func @_xsplit_body(%arg0: i32, %arg1: memref<2000x256xf32, #tpu.memory_space<vmem>>, %arg2: memref<2x2000x128xf32, #tpu.memory_space<vmem>>) attributes {dimension_semantics = [#tpu.dimension_semantics<arbitrary>], iteration_bounds = array<i64: 5>, scalar_prefetch = 0 : i64, scratch_operands = 0 : i64, tpu.core_type = #tpu.core_type<tc>, window_params = [{transform_indices = @transform_0, window_bounds = array<i64: 2000, 256>}, {transform_indices = @transform_1, window_bounds = array<i64: 2, 2000, 128>}]} {
    %get3A = arith.constant 0 : index
    %get3A_0 = arith.constant 0 : index
    %get3A_1 = vector.load %arg1[%get3A, %get3A_0] : memref<2000x256xf32, #tpu.memory_space<vmem>>, vector<2000x128xf32>
    %swap3A = arith.constant 0 : index
    %swap3A_2 = arith.constant 0 : index
    %swap3A_3 = arith.constant 0 : index
    %swap3A_4 = vector.load %arg2[%swap3A, %swap3A_2, %swap3A_3] : memref<2x2000x128xf32, #tpu.memory_space<vmem>>, vector<1x2000x128xf32>
    %swap3A_5 = vector.shape_cast %swap3A_4 : vector<1x2000x128xf32> to vector<2000x128xf32>
    %swap3A_6 = vector.shape_cast %get3A_1 : vector<2000x128xf32> to vector<1x2000x128xf32>
    tpu.vector_store %arg2[%swap3A, %swap3A_2, %swap3A_3], %swap3A_6 {strides = array<i32>} : memref<2x2000x128xf32, #tpu.memory_space<vmem>>, vector<1x2000x128xf32>,
    %get3A_7 = arith.constant 0 : index
    %get3A_8 = arith.constant 128 : index
    %get3A_9 = vector.load %arg1[%get3A_7, %get3A_8] : memref<2000x256xf32, #tpu.memory_space<vmem>>, vector<2000x128xf32>
    %swap3A_10 = arith.constant 1 : index
    %swap3A_11 = arith.constant 0 : index
    %swap3A_12 = arith.constant 0 : index
    %swap3A_13 = vector.load %arg2[%swap3A_10, %swap3A_11, %swap3A_12] : memref<2x2000x128xf32, #tpu.memory_space<vmem>>, vector<1x2000x128xf32>
    %swap3A_14 = vector.shape_cast %swap3A_13 : vector<1x2000x128xf32> to vector<2000x128xf32>
    %swap3A_15 = vector.shape_cast %get3A_9 : vector<2000x128xf32> to vector<1x2000x128xf32>
    tpu.vector_store %arg2[%swap3A_10, %swap3A_11, %swap3A_12], %swap3A_15 {strides = array<i32>} : memref<2x2000x128xf32, #tpu.memory_space<vmem>>, vector<1x2000x128xf32>,
    return
  }
  func.func @transform_0(%arg0: i32) -> (i32, i32) {
    %c0_i32 = arith.constant 0 : i32
    %c0_i32_0 = arith.constant 0 : i32
    return %arg0, %c0_i32 : i32, i32
  }
  func.func @transform_1(%arg0: i32) -> (i32, i32, i32) {
    %c0_i32 = arith.constant 0 : i32
    %c0_i32_0 = arith.constant 0 : i32
    %c0_i32_1 = arith.constant 0 : i32
    return %c0_i32, %arg0, %c0_i32_0 : i32, i32, i32
  }
}

module attributes {stable_mosaic.version = 14 : i64} {
  func.func @_eproj_body(%arg0: i32, %arg1: memref<4000x32xf32, #tpu.memory_space<vmem>>, %arg2: memref<32x512xf32, #tpu.memory_space<vmem>>, %arg3: memref<1x512xf32, #tpu.memory_space<vmem>>, %arg4: memref<2x4000x128xi32, #tpu.memory_space<vmem>>) attributes {dimension_semantics = [#tpu.dimension_semantics<arbitrary>], iteration_bounds = array<i64: 20>, scalar_prefetch = 0 : i64, scratch_operands = 0 : i64, tpu.core_type = #tpu.core_type<tc>, window_params = [{transform_indices = @transform_0, window_bounds = array<i64: 4000, 32>}, {pipeline_mode = #tpu.pipeline_mode<synchronous>, transform_indices = @transform_1, window_bounds = array<i64: 32, 512>}, {pipeline_mode = #tpu.pipeline_mode<synchronous>, transform_indices = @transform_2, window_bounds = array<i64: 1, 512>}, {transform_indices = @transform_3, window_bounds = array<i64: 2, 4000, 128>}]} {
    %get3A = arith.constant 0 : index
    %get3A_0 = arith.constant 0 : index
    %get3A_1 = vector.load %arg1[%get3A, %get3A_0] : memref<4000x32xf32, #tpu.memory_space<vmem>>, vector<4000x32xf32>
    %get3A_2 = arith.constant 0 : index
    %get3A_3 = arith.constant 0 : index
    %get3A_4 = vector.load %arg2[%get3A_2, %get3A_3] : memref<32x512xf32, #tpu.memory_space<vmem>>, vector<32x512xf32>
    %dot_general3A = arith.constant dense<0.000000e+00> : vector<4000x512xf32>
    %dot_general3A_5 = tpu.matmul %get3A_1, %get3A_4, %dot_general3A {dimension_numbers = #tpu.dot_dimension_numbers<[1], [0], [0], [1], [0, 0, 1, 1], [], []>, transpose_lhs_hint = false} : vector<4000x32xf32>, vector<32x512xf32>, vector<4000x512xf32> -> vector<4000x512xf32>
    %get3A_6 = arith.constant 0 : index
    %get3A_7 = arith.constant 0 : index
    %get3A_8 = vector.load %arg3[%get3A_6, %get3A_7] : memref<1x512xf32, #tpu.memory_space<vmem>>, vector<1x512xf32>
    %add3A = vector.broadcast %get3A_8 : vector<1x512xf32> to vector<4000x512xf32>
    %add3A_9 = arith.addf %dot_general3A_5, %add3A : vector<4000x512xf32>
    %convert_element_type3A = arith.truncf %add3A_9 : vector<4000x512xf32> to vector<4000x512xbf16>
    %convert_element_type3A_10 = arith.extf %convert_element_type3A : vector<4000x512xbf16> to vector<4000x512xf32>
    %bitcast_convert_type3A = tpu.bitcast %convert_element_type3A_10 : vector<4000x512xf32> -> vector<4000x512xi32>
    %slice3A = vector.extract_strided_slice %bitcast_convert_type3A {offsets = [0, 0], sizes = [4000, 128], strides = [1, 1]} : vector<4000x512xi32> to vector<4000x128xi32>
    %slice3A_11 = vector.extract_strided_slice %slice3A {offsets = [0, 0], sizes = [4000, 64], strides = [1, 1]} : vector<4000x128xi32> to vector<4000x64xi32>
    %shift_right_logical3A = arith.constant 16 : i32
    %shift_right_logical3A_12 = vector.broadcast %shift_right_logical3A : i32 to vector<4000x64xi32>
    %shift_right_logical3A_13 = arith.shrui %slice3A_11, %shift_right_logical3A_12 : vector<4000x64xi32>
    %slice3A_14 = vector.extract_strided_slice %slice3A {offsets = [0, 64], sizes = [4000, 64], strides = [1, 1]} : vector<4000x128xi32> to vector<4000x64xi32>
    %and3A = arith.constant -65536 : i32
    %and3A_15 = vector.broadcast %and3A : i32 to vector<4000x64xi32>
    %and3A_16 = arith.andi %slice3A_14, %and3A_15 : vector<4000x64xi32>
    %or3A = arith.ori %shift_right_logical3A_13, %and3A_16 : vector<4000x64xi32>
    %slice3A_17 = vector.extract_strided_slice %bitcast_convert_type3A {offsets = [0, 256], sizes = [4000, 128], strides = [1, 1]} : vector<4000x512xi32> to vector<4000x128xi32>
    %slice3A_18 = vector.extract_strided_slice %slice3A_17 {offsets = [0, 0], sizes = [4000, 64], strides = [1, 1]} : vector<4000x128xi32> to vector<4000x64xi32>
    %shift_right_logical3A_19 = arith.constant 16 : i32
    %shift_right_logical3A_20 = vector.broadcast %shift_right_logical3A_19 : i32 to vector<4000x64xi32>
    %shift_right_logical3A_21 = arith.shrui %slice3A_18, %shift_right_logical3A_20 : vector<4000x64xi32>
    %slice3A_22 = vector.extract_strided_slice %slice3A_17 {offsets = [0, 64], sizes = [4000, 64], strides = [1, 1]} : vector<4000x128xi32> to vector<4000x64xi32>
    %and3A_23 = arith.constant -65536 : i32
    %and3A_24 = vector.broadcast %and3A_23 : i32 to vector<4000x64xi32>
    %and3A_25 = arith.andi %slice3A_22, %and3A_24 : vector<4000x64xi32>
    %or3A_26 = arith.ori %shift_right_logical3A_21, %and3A_25 : vector<4000x64xi32>
    %concatenate3A = tpu.concatenate %or3A, %or3A_26 in 1 : vector<4000x64xi32>, vector<4000x64xi32> -> vector<4000x128xi32>
    %swap3A = arith.constant 0 : index
    %swap3A_27 = arith.constant 0 : index
    %swap3A_28 = arith.constant 0 : index
    %swap3A_29 = vector.load %arg4[%swap3A, %swap3A_27, %swap3A_28] : memref<2x4000x128xi32, #tpu.memory_space<vmem>>, vector<1x4000x128xi32>
    %swap3A_30 = vector.shape_cast %swap3A_29 : vector<1x4000x128xi32> to vector<4000x128xi32>
    %swap3A_31 = vector.shape_cast %concatenate3A : vector<4000x128xi32> to vector<1x4000x128xi32>
    tpu.vector_store %arg4[%swap3A, %swap3A_27, %swap3A_28], %swap3A_31 {strides = array<i32>} : memref<2x4000x128xi32, #tpu.memory_space<vmem>>, vector<1x4000x128xi32>,
    %slice3A_32 = vector.extract_strided_slice %bitcast_convert_type3A {offsets = [0, 128], sizes = [4000, 128], strides = [1, 1]} : vector<4000x512xi32> to vector<4000x128xi32>
    %slice3A_33 = vector.extract_strided_slice %slice3A_32 {offsets = [0, 0], sizes = [4000, 64], strides = [1, 1]} : vector<4000x128xi32> to vector<4000x64xi32>
    %shift_right_logical3A_34 = arith.constant 16 : i32
    %shift_right_logical3A_35 = vector.broadcast %shift_right_logical3A_34 : i32 to vector<4000x64xi32>
    %shift_right_logical3A_36 = arith.shrui %slice3A_33, %shift_right_logical3A_35 : vector<4000x64xi32>
    %slice3A_37 = vector.extract_strided_slice %slice3A_32 {offsets = [0, 64], sizes = [4000, 64], strides = [1, 1]} : vector<4000x128xi32> to vector<4000x64xi32>
    %and3A_38 = arith.constant -65536 : i32
    %and3A_39 = vector.broadcast %and3A_38 : i32 to vector<4000x64xi32>
    %and3A_40 = arith.andi %slice3A_37, %and3A_39 : vector<4000x64xi32>
    %or3A_41 = arith.ori %shift_right_logical3A_36, %and3A_40 : vector<4000x64xi32>
    %slice3A_42 = vector.extract_strided_slice %bitcast_convert_type3A {offsets = [0, 384], sizes = [4000, 128], strides = [1, 1]} : vector<4000x512xi32> to vector<4000x128xi32>
    %slice3A_43 = vector.extract_strided_slice %slice3A_42 {offsets = [0, 0], sizes = [4000, 64], strides = [1, 1]} : vector<4000x128xi32> to vector<4000x64xi32>
    %shift_right_logical3A_44 = arith.constant 16 : i32
    %shift_right_logical3A_45 = vector.broadcast %shift_right_logical3A_44 : i32 to vector<4000x64xi32>
    %shift_right_logical3A_46 = arith.shrui %slice3A_43, %shift_right_logical3A_45 : vector<4000x64xi32>
    %slice3A_47 = vector.extract_strided_slice %slice3A_42 {offsets = [0, 64], sizes = [4000, 64], strides = [1, 1]} : vector<4000x128xi32> to vector<4000x64xi32>
    %and3A_48 = arith.constant -65536 : i32
    %and3A_49 = vector.broadcast %and3A_48 : i32 to vector<4000x64xi32>
    %and3A_50 = arith.andi %slice3A_47, %and3A_49 : vector<4000x64xi32>
    %or3A_51 = arith.ori %shift_right_logical3A_46, %and3A_50 : vector<4000x64xi32>
    %concatenate3A_52 = tpu.concatenate %or3A_41, %or3A_51 in 1 : vector<4000x64xi32>, vector<4000x64xi32> -> vector<4000x128xi32>
    %swap3A_53 = arith.constant 1 : index
    %swap3A_54 = arith.constant 0 : index
    %swap3A_55 = arith.constant 0 : index
    %swap3A_56 = vector.load %arg4[%swap3A_53, %swap3A_54, %swap3A_55] : memref<2x4000x128xi32, #tpu.memory_space<vmem>>, vector<1x4000x128xi32>
    %swap3A_57 = vector.shape_cast %swap3A_56 : vector<1x4000x128xi32> to vector<4000x128xi32>
    %swap3A_58 = vector.shape_cast %concatenate3A_52 : vector<4000x128xi32> to vector<1x4000x128xi32>
    tpu.vector_store %arg4[%swap3A_53, %swap3A_54, %swap3A_55], %swap3A_58 {strides = array<i32>} : memref<2x4000x128xi32, #tpu.memory_space<vmem>>, vector<1x4000x128xi32>,
    return
  }
  func.func @transform_0(%arg0: i32) -> (i32, i32) {
    %c0_i32 = arith.constant 0 : i32
    %c0_i32_0 = arith.constant 0 : i32
    return %arg0, %c0_i32 : i32, i32
  }
  func.func @transform_1(%arg0: i32) -> (i32, i32) {
    %c0_i32 = arith.constant 0 : i32
    %c0_i32_0 = arith.constant 0 : i32
    %c0_i32_1 = arith.constant 0 : i32
    return %c0_i32, %c0_i32_0 : i32, i32
  }
  func.func @transform_2(%arg0: i32) -> (i32, i32) {
    %c0_i32 = arith.constant 0 : i32
    %c0_i32_0 = arith.constant 0 : i32
    %c0_i32_1 = arith.constant 0 : i32
    return %c0_i32, %c0_i32_0 : i32, i32
  }
  func.func @transform_3(%arg0: i32) -> (i32, i32, i32) {
    %c0_i32 = arith.constant 0 : i32
    %c0_i32_0 = arith.constant 0 : i32
    %c0_i32_1 = arith.constant 0 : i32
    return %c0_i32, %arg0, %c0_i32_0 : i32, i32, i32
  }
}

module attributes {stable_mosaic.version = 14 : i64} {
  func.func @_mlp_body(%arg0: i32, %arg1: memref<1000x256xf32, #tpu.memory_space<vmem>>, %arg2: memref<2x1000x128xf32, #tpu.memory_space<vmem>>, %arg3: memref<256x512xf32, #tpu.memory_space<vmem>>, %arg4: memref<1x512xf32, #tpu.memory_space<vmem>>, %arg5: memref<512x256xf32, #tpu.memory_space<vmem>>, %arg6: memref<1x256xf32, #tpu.memory_space<vmem>>, %arg7: memref<1000x256xf32, #tpu.memory_space<vmem>>) attributes {dimension_semantics = [#tpu.dimension_semantics<arbitrary>], iteration_bounds = array<i64: 10>, scalar_prefetch = 0 : i64, scratch_operands = 0 : i64, tpu.core_type = #tpu.core_type<tc>, window_params = [{transform_indices = @transform_0, window_bounds = array<i64: 1000, 256>}, {transform_indices = @transform_1, window_bounds = array<i64: 2, 1000, 128>}, {pipeline_mode = #tpu.pipeline_mode<synchronous>, transform_indices = @transform_2, window_bounds = array<i64: 256, 512>}, {pipeline_mode = #tpu.pipeline_mode<synchronous>, transform_indices = @transform_3, window_bounds = array<i64: 1, 512>}, {pipeline_mode = #tpu.pipeline_mode<synchronous>, transform_indices = @transform_4, window_bounds = array<i64: 512, 256>}, {pipeline_mode = #tpu.pipeline_mode<synchronous>, transform_indices = @transform_5, window_bounds = array<i64: 1, 256>}, {transform_indices = @transform_6, window_bounds = array<i64: 1000, 256>}]} {
    %get3A = arith.constant 0 : index
    %get3A_0 = arith.constant 0 : index
    %get3A_1 = arith.constant 0 : index
    %get3A_2 = vector.load %arg2[%get3A, %get3A_0, %get3A_1] : memref<2x1000x128xf32, #tpu.memory_space<vmem>>, vector<1x1000x128xf32>
    %get3A_3 = vector.shape_cast %get3A_2 : vector<1x1000x128xf32> to vector<1000x128xf32>
    %get3A_4 = arith.constant 1 : index
    %get3A_5 = arith.constant 0 : index
    %get3A_6 = arith.constant 0 : index
    %get3A_7 = vector.load %arg2[%get3A_4, %get3A_5, %get3A_6] : memref<2x1000x128xf32, #tpu.memory_space<vmem>>, vector<1x1000x128xf32>
    %get3A_8 = vector.shape_cast %get3A_7 : vector<1x1000x128xf32> to vector<1000x128xf32>
    %concatenate3A = tpu.concatenate %get3A_3, %get3A_8 in 1 : vector<1000x128xf32>, vector<1000x128xf32> -> vector<1000x256xf32>
    %get3A_9 = arith.constant 0 : index
    %get3A_10 = arith.constant 0 : index
    %get3A_11 = vector.load %arg1[%get3A_9, %get3A_10] : memref<1000x256xf32, #tpu.memory_space<vmem>>, vector<1000x256xf32>
    %add3A = arith.addf %concatenate3A, %get3A_11 : vector<1000x256xf32>
    %get3A_12 = arith.constant 0 : index
    %get3A_13 = arith.constant 0 : index
    %get3A_14 = vector.load %arg3[%get3A_12, %get3A_13] : memref<256x512xf32, #tpu.memory_space<vmem>>, vector<256x512xf32>
    %dot_general3A = arith.constant dense<0.000000e+00> : vector<1000x512xf32>
    %dot_general3A_15 = tpu.matmul %add3A, %get3A_14, %dot_general3A {dimension_numbers = #tpu.dot_dimension_numbers<[1], [0], [0], [1], [0, 0, 1, 1], [], []>, transpose_lhs_hint = false} : vector<1000x256xf32>, vector<256x512xf32>, vector<1000x512xf32> -> vector<1000x512xf32>
    %get3A_16 = arith.constant 0 : index
    %get3A_17 = arith.constant 0 : index
    %get3A_18 = vector.load %arg4[%get3A_16, %get3A_17] : memref<1x512xf32, #tpu.memory_space<vmem>>, vector<1x512xf32>
    %add3A_19 = vector.broadcast %get3A_18 : vector<1x512xf32> to vector<1000x512xf32>
    %add3A_20 = arith.addf %dot_general3A_15, %add3A_19 : vector<1000x512xf32>
    %max3A = arith.constant 0.000000e+00 : f32
    %max3A_21 = vector.broadcast %max3A : f32 to vector<1000x512xf32>
    %max3A_22 = arith.maximumf %add3A_20, %max3A_21 : vector<1000x512xf32>
    %get3A_23 = arith.constant 0 : index
    %get3A_24 = arith.constant 0 : index
    %get3A_25 = vector.load %arg5[%get3A_23, %get3A_24] : memref<512x256xf32, #tpu.memory_space<vmem>>, vector<512x256xf32>
    %dot_general3A_26 = arith.constant dense<0.000000e+00> : vector<1000x256xf32>
    %dot_general3A_27 = tpu.matmul %max3A_22, %get3A_25, %dot_general3A_26 {dimension_numbers = #tpu.dot_dimension_numbers<[1], [0], [0], [1], [0, 0, 1, 1], [], []>, transpose_lhs_hint = false} : vector<1000x512xf32>, vector<512x256xf32>, vector<1000x256xf32> -> vector<1000x256xf32>
    %get3A_28 = arith.constant 0 : index
    %get3A_29 = arith.constant 0 : index
    %get3A_30 = vector.load %arg6[%get3A_28, %get3A_29] : memref<1x256xf32, #tpu.memory_space<vmem>>, vector<1x256xf32>
    %add3A_31 = vector.broadcast %get3A_30 : vector<1x256xf32> to vector<1000x256xf32>
    %add3A_32 = arith.addf %dot_general3A_27, %add3A_31 : vector<1000x256xf32>
    %swap3A = arith.constant 0 : index
    %swap3A_33 = arith.constant 0 : index
    %swap3A_34 = vector.load %arg7[%swap3A, %swap3A_33] : memref<1000x256xf32, #tpu.memory_space<vmem>>, vector<1000x256xf32>
    tpu.vector_store %arg7[%swap3A, %swap3A_33], %add3A_32 {strides = array<i32>} : memref<1000x256xf32, #tpu.memory_space<vmem>>, vector<1000x256xf32>,
    return
  }
  func.func @transform_0(%arg0: i32) -> (i32, i32) {
    %c0_i32 = arith.constant 0 : i32
    %c0_i32_0 = arith.constant 0 : i32
    return %arg0, %c0_i32 : i32, i32
  }
  func.func @transform_1(%arg0: i32) -> (i32, i32, i32) {
    %c0_i32 = arith.constant 0 : i32
    %c0_i32_0 = arith.constant 0 : i32
    %c0_i32_1 = arith.constant 0 : i32
    return %c0_i32, %arg0, %c0_i32_0 : i32, i32, i32
  }
  func.func @transform_2(%arg0: i32) -> (i32, i32) {
    %c0_i32 = arith.constant 0 : i32
    %c0_i32_0 = arith.constant 0 : i32
    %c0_i32_1 = arith.constant 0 : i32
    return %c0_i32, %c0_i32_0 : i32, i32
  }
  func.func @transform_3(%arg0: i32) -> (i32, i32) {
    %c0_i32 = arith.constant 0 : i32
    %c0_i32_0 = arith.constant 0 : i32
    %c0_i32_1 = arith.constant 0 : i32
    return %c0_i32, %c0_i32_0 : i32, i32
  }
  func.func @transform_4(%arg0: i32) -> (i32, i32) {
    %c0_i32 = arith.constant 0 : i32
    %c0_i32_0 = arith.constant 0 : i32
    %c0_i32_1 = arith.constant 0 : i32
    return %c0_i32, %c0_i32_0 : i32, i32
  }
  func.func @transform_5(%arg0: i32) -> (i32, i32) {
    %c0_i32 = arith.constant 0 : i32
    %c0_i32_0 = arith.constant 0 : i32
    %c0_i32_1 = arith.constant 0 : i32
    return %c0_i32, %c0_i32_0 : i32, i32
  }
  func.func @transform_6(%arg0: i32) -> (i32, i32) {
    %c0_i32 = arith.constant 0 : i32
    %c0_i32_0 = arith.constant 0 : i32
    return %arg0, %c0_i32 : i32, i32
  }
}

</mosaic_0001>

<sc_bundles>
// kernel: kernel.6.cloned.1.call-start
scs
__scs_entry_jumppad:
0x0: {  	(pc) =	sbr.rel $0x88, $3  }
0x1: {  	(tag) =	ssettag $0x0;
	lr =	simm.s32 $0x1  }
0x2: {  	[smem:$0x3F98] =	sst lr;
	_ =	strace $0xD0000000  }
0x3: {  	_ = 	snop  }
0x4: {  	_ = 	snop  }
0x5: {  	_ = 	snop  }
0x6: {  	_ = 	snop  }
0x7: {  	_ = 	snop  }
__scs_overlays_trampoline_lowered:
0x8: {  	[smem:$0x3FA7] =	sst s0  }
0x9: {  	[smem:$0x3FA8] =	sst s1  }
0xa: {  	[smem:$0x3FA9] =	sst s2  }
0xb: {  	[smem:$0x3FAA] =	sst s3  }
0xc: {  	[smem:$0x3FAB] =	sst s4  }
0xd: {  	[smem:$0x3FAC] =	sst s5  }
0xe: {  	[smem:$0x3FAD] =	sst s6  }
0xf: {  	[smem:$0x3FAE] =	sst s7  }
0x10: {  	[smem:$0x3FAF] =	sst s8  }
0x11: {  	[smem:$0x3FB0] =	sst s9;
	s0 =	simm.s32 @!p0 $0x0  }
0x12: {  	s1 =	sld [smem:$0x3F96];
	s0 =	simm.s32 @p0 $0x1  }
0x13: {  	[smem:$0x3FB1] =	sst s0;
	s0 =	simm.s32 @!p1 $0x0  }
0x14: {  	s2 =	sld [smem:$0x3F95];
	s0 =	simm.s32 @p1 $0x1  }
0x15: {  	[smem:$0x3FB2] =	sst s0;
	s0 =	simm.s32 @!p2 $0x0  }
0x16: {  	s3 =	sld [smem:$0x3FDB];
	s0 =	simm.s32 @p2 $0x1  }
0x17: {  	s4 =	simm.s32 $0x1BF5;
	[smem:$0x3FB4] =	sst s0  }
0x18: {  	s0 =	sld [smem:$0x3F97];
	_ =	swait.ge [sflag:s4], $0x0  }
0x19: {  	s7 =	sld [smem:$0x3F98]  }
0x1a: {  	s8 =	sadd.s32 $0xFFFFE003, lr  }
0x1b: {  	s9 =	sadd.s32 $0xFFFFFEF7, lr;
	s5 =	simm.s32 $0xFFFFFFFF;
	p2 =	slt.u32 s8, $0xFFFFF086  }
0x1c: {  	p1 =	slt.u32 s9, $0xF7A;
	s5 =	simm.s32 @!p2 $0x0  }
0x1d: {  	s5 =	simm.s32 @p1 $0x1;
	p0 =	seq.s32 s7, s2  }
0x1e: {  	s7 =	smul.u32 @!p0 $0xF7A, s2;
	p2 =	seq.s32 @!p0 s5, $0x0  }
0x1f: {  	s9 =	smul.u32 $0xF7A, s1;
	s8 =	simm.s32 @!p0 $0x1BF5;
	p2 =	por !p2, p0  }
0x20: {  	[sflag:s8] =	ssyncset.s32 @!p0 $0xFFFFF086;
	s6 =	sadd.s32 @!p0 s3, s7;
	s7 =	simm.s32 @!p0 $0x108  }
0x21: {  	s3 =	sadd.s32 s3, s9;
	s6 =	sadd.s32 @!p0 $0x88, s6;
	s7 =	simm.s32 @p2 $0x1082  }
0x22: {  	[simem:s7], [sflag:s8] =	dma.local @!p0 [hbm:s6], $0xF7A  }
0x23: {  	s9 =	sor.u32 $0xD0000000, s2;
	s6 =	simm.s32 $0x108;
	_ =	swait.ge @!p0 [sflag:s8], $0x0  }
0x24: {  	s3 =	sadd.s32 $0x88, s3;
	s6 =	simm.s32 @!p1 $0x1082;
	[sflag:s4] =	ssyncset.s32 $0xFFFFF086  }
0x25: {  	[simem:s6], [sflag:s4] =	dma.local [hbm:s3], $0xF7A  }
0x26: {  	[smem:$0x3F98] =	sst s1;
	(tag) =	ssettag s2;
	_ =	strace s9  }
0x27: {  	s1 =	sld [smem:$0x3FA8]  }
0x28: {  	s2 =	sld [smem:$0x3FA9]  }
0x29: {  	s4 =	sld [smem:$0x3FAB]  }
0x2a: {  	p0 =	seq.s32 s5, $0x0;
	s5 =	sld [smem:$0x3FAC]  }
0x2b: {  	s6 =	sld [smem:$0x3FAD]  }
0x2c: {  	s7 =	sld [smem:$0x3FAE]  }
0x2d: {  	s3 =	simm.s32 $0x108;
	s8 =	sld [smem:$0x3FAF]  }
0x2e: {  	s3 =	simm.s32 @!p0 $0x1082;
	s9 =	sld [smem:$0x3FB0]  }
0x2f: {  	lr =	sadd.s32 s0, s3;
	s0 =	sld [smem:$0x3FA7]  }
0x30: {  	s3 =	sld [smem:$0x3FAA]  }
0x31: {  	[smem:$0x3FB3] =	sst s10  }
0x32: {  	s10 =	sld [smem:$0x3FB1];
	_ =	sdelay $0x3  }
0x33: {  	p0 =	seq.s32 s10, $0x1;
	s10 =	sld [smem:$0x3FB3];
	_ =	sdelay $0x3  }
0x34: {  	[smem:$0x3FB3] =	sst s10  }
0x35: {  	s10 =	sld [smem:$0x3FB2];
	_ =	sdelay $0x3  }
0x36: {  	p1 =	seq.s32 s10, $0x1;
	s10 =	sld [smem:$0x3FB3];
	_ =	sdelay $0x3  }
0x37: {  	[smem:$0x3FB3] =	sst s10  }
0x38: {  	s10 =	sld [smem:$0x3FB4]  }
0x39: {  	_ = 	snop;
	(pc) =	sbr.ind lr, $3  }
0x3a: {  	_ = 	snop  }
0x3b: {  	_ = 	snop  }
0x3c: {  	p2 =	seq.s32 s10, $0x1;
	s10 =	sld [smem:$0x3FB3]  }
0x3d: {  	_ =	shalt  }
0x3e: {  	_ =	shalt  }
0x3f: {  	_ =	shalt  }
0x40: {  	_ =	shalt  }
0x41: {  	_ =	shalt  }
0x42: {  	_ =	shalt  }
0x43: {  	_ =	shalt  }
0x44: {  	_ =	shalt  }
0x45: {  	_ =	shalt  }
0x46: {  	_ =	shalt  }
0x47: {  	_ =	shalt  }
0x48: {  	_ =	shalt  }
0x49: {  	_ =	shalt  }
0x4a: {  	_ =	shalt  }
0x4b: {  	_ =	shalt  }
0x4c: {  	_ =	shalt  }
0x4d: {  	_ =	shalt  }
0x4e: {  	_ =	shalt  }
0x4f: {  	_ =	shalt  }
0x50: {  	_ =	shalt  }
0x51: {  	_ =	shalt  }
0x52: {  	_ =	shalt  }
0x53: {  	_ =	shalt  }
0x54: {  	_ =	shalt  }
0x55: {  	_ =	shalt  }
0x56: {  	_ =	shalt  }
0x57: {  	_ =	shalt  }
0x58: {  	_ =	shalt  }
0x59: {  	_ =	shalt  }
0x5a: {  	_ =	shalt  }
0x5b: {  	_ =	shalt  }
0x5c: {  	_ =	shalt  }
0x5d: {  	_ =	shalt  }
0x5e: {  	_ =	shalt  }
0x5f: {  	_ =	shalt  }
0x60: {  	_ =	shalt  }
0x61: {  	_ =	shalt  }
0x62: {  	_ =	shalt  }
0x63: {  	_ =	shalt  }
0x64: {  	_ =	shalt  }
0x65: {  	_ =	shalt  }
0x66: {  	_ =	shalt  }
0x67: {  	_ =	shalt  }
0x68: {  	_ =	shalt  }
0x69: {  	_ =	shalt  }
0x6a: {  	_ =	shalt  }
0x6b: {  	_ =	shalt  }
0x6c: {  	_ =	shalt  }
0x6d: {  	_ =	shalt  }
0x6e: {  	_ =	shalt  }
0x6f: {  	_ =	shalt  }
0x70: {  	_ =	shalt  }
0x71: {  	_ =	shalt  }
0x72: {  	_ =	shalt  }
0x73: {  	_ =	shalt  }
0x74: {  	_ =	shalt  }
0x75: {  	_ =	shalt  }
0x76: {  	_ =	shalt  }
0x77: {  	_ =	shalt  }
0x78: {  	_ =	shalt  }
0x79: {  	_ =	shalt  }
0x7a: {  	_ =	shalt  }
0x7b: {  	_ =	shalt  }
0x7c: {  	_ =	shalt  }
0x7d: {  	_ =	shalt  }
0x7e: {  	_ =	shalt  }
0x7f: {  	_ =	shalt  }
0x80: {  	_ =	shalt  }
0x81: {  	_ =	shalt  }
0x82: {  	_ =	shalt  }
0x83: {  	_ =	shalt  }
0x84: {  	_ =	shalt  }
0x85: {  	_ =	shalt  }
0x86: {  	_ =	shalt  }
0x87: {  	_ =	shalt  }
.Lfunc_end0:
.L_simem_size_0:
called_computation_lowered:
.L_overlay_start_0:
0x88: {  	s2 =	sld [smem:$0x3FD9]  }
0x89: {  	s3 =	sld [smem:$0x3FFE];
	_ =	sdelay $0x1  }
0x8a: {  	s1 =	srdreg.scid  }
0x8b: {  	s0 =	sand.u32 $0x1, s1  }
0x8c: {  	s17 =	sshll.u32 s0, $0xA;
	s2 =	sadd.s32 s3, s2  }
0x8d: {  	s2 =	sadd.s32 s2, s17  }
0x8e: {  	[smem:$0x3FBF] =	sst s2  }
0x8f: {  	_ = 	snop  }
0x90: {  	s2 =	sld [smem:$0x3FD0];
	(tm) =	ssettm $0x1  }
0x91: {  	s18 =	sld [smem:$0x3FFB];
	_ =	sdelay $0x3  }
0x92: {  	_ =	strace s18  }
0x93: {  	s3 =	sld [smem:$0x3FFC];
	_ =	sdelay $0x3  }
0x94: {  	_ =	strace s3  }
0x95: {  	s3 =	sld [smem:$0x3FFD];
	_ =	sdelay $0x3  }
0x96: {  	_ =	strace s3  }
0x97: {  	_ =	strace $0x8FFFFFFF  }
0x98: {  	s19 =	sld [smem:$0x3FDB];
	_ =	sdelay $0x1  }
0x99: {  	s4 =	simm.s32 $_scs_section_size  }
0x9a: {  	s5 =	simm.s32 $_size__tile_overlayer_lowered;
	s6 =	simm.s32 $_tile_overlayer_lowered  }
0x9b: {  	s22 =	simm.s32 $0x1BFF;
	s21 =	sshll.u32 s6, $0x1;
	s3 =	sadd.s32 s4, s19  }
0x9c: {  	s7 =	simm.s32 $0x0;
	s20 =	sshll.u32 s5, $0x1;
	s5 =	sadd.s32 s21, s3  }
0x9d: {  	[timem:s7], [sflag:s22] =	dma.local [hbm:s5], s20  }
0x9e: {  	_ =	swait.ge [sflag:s22], s20  }
0x9f: {  	s4 =	ssub.s32 $0x0, s20;
	[sflag:s22] =	ssyncset.done $0x0  }
0xa0: {  	[sflag:s22] =	ssyncadd.s32 s4;
	_ =	sdelay $0x1  }
0xa1: {  	s23 =	simm.s32 $0x1B8B  }
0xa2: {  	_ =	swait.ge [sflag:s23], $0x1  }
0xa3: {  	[sflag:s23] =	ssyncset.done $0x0  }
0xa4: {  	s25 =	simm.s32 $0x1B8E;
	s24 =	sld [smem:$0x3FFE];
	[sflag:s23] =	ssyncadd.s32 $0xFFFFFFFF  }
0xa5: {  	s26 =	simm.s32 $execute0_lowered;
	[smem:$0x3FD2] =	sst s25  }
0xa6: {  	s5 =	sshll.u32 s26, $0x1;
	_ =	strace $0x80000046;
	[dreg:$0x1] =	wrdreg $0xFFFFFFFF  }
0xa7: {  	s28 =	simm.s32 $_size_execute0_lowered;
	s3 =	sadd.s32 s3, s5;
	[dreg:$0x0] =	wrdreg $0x0  }
0xa8: {  	s5 =	sshll.u32 s28, $0x1;
	[dreg:$0x2] =	wrdreg s3  }
0xa9: {  	[dreg:$0x3] =	wrdreg s5  }
0xaa: {  	[dreg:$0x4] =	wrdreg $0xC0  }
0xab: {  	_ =	task [dreg:s7], $0x5FFFF  }
0xac: {  	[dreg:$0x1] =	wrdreg $0xFFFFFFFF  }
0xad: {  	[dreg:$0x0] =	wrdreg $0x60  }
0xae: {  	[dreg:$0x2] =	wrdreg s2  }
0xaf: {  	[dreg:$0x3] =	wrdreg s24  }
0xb0: {  	[dreg:$0x4] =	wrdreg $0x0  }
0xb1: {  	[dreg:$0x5] =	wrdreg $0x9  }
0xb2: {  	_ =	task.clear_ibuf [dreg:s7], $0x6FFFF;
	_ =	strace $0x90000046  }
0xb3: {  	s29 =	simm.s32 $0x9;
	_ =	strace $0x80000048  }
0xb4: {  	_ =	swait.ge [sflag:s29], $0x1  }
0xb5: {  	[sflag:s29] =	ssyncadd.s32 $0xFFFFFFFF  }
0xb6: {  	_ =	strace $0x90000048  }
0xb7: {  	_ =	sfence  }
0xb8: {  	s30 =	sld [smem:$0x0];
	_ =	sdelay $0x2  }
0xb9: {  	s31 =	sshll.u32 s1, $0xD;
	s1 =	sshrl.u32 s1, $0x2  }
0xba: {  	s3 =	sand.u32 $0x4000, s31;
	s1 =	sadd.s32 s1, s30  }
0xbb: {  	s0 =	sor.u32 s3, s0;
	s1 =	sshll.u32 s1, $0x11  }
0xbc: {  	s0 =	sor.u32 s1, s0  }
0xbd: {  	s0 =	sadd.s32 $0x8F2B, s0  }
0xbe: {  	[sflag:s0] =	ssyncadd.remote.s32 $0x1  }
0xbf: {  	_ =	sfence.sel $0xFFFF  }
0xc0: {  	[dreg:$0x0] =	wrdreg $0xFFFFFFFF;
	(pc) =	sbr.abs _section_cstart, $3  }
0xc1: {  	[dreg:$0x1] =	wrdreg $0xFFFFFFFF  }
0xc2: {  	_ =	task.clear_ibuf [dreg:s7], $0x2FFFF;
	_ =	strace $0x9FFFFFFF  }
0xc3: {  	(tm) =	ssettm $0x7FFFFFFF  }
tec
execute0_lowered:
.L_overlay_start_1:
0x0: {  	(tag) =	ssettag $0x1  }
0x1: {  	s0 =	rddreg [dreg:$0x0]  }
0x2: {  	s3 =	rddreg [dreg:$0x1]  }
0x3: {  	s1 =	rddreg [dreg:$0x2];
	s15 =	stileid.u32  }
0x4: {  	s4 =	srdreg.scid;
	s9 =	smul.u32 $0x4E000, s15  }
0x5: {  	s2 =	simm.s32 $0x0;
	s5 =	sand.u32 $0x1, s4;
	s6 =	smul.u32 $0x2710, s15  }
0x6: {  	[smem:$0x7FF] =	sst s2;
	s12 =	smul.u32 $0x270, s15;
	p0 =	sne.s32 s15, $0xF  }
0x7: {  	s4 =	smul.u32 $0x138800, s5;
	_ =	strace $0x80000047;
	s7 =	ssub.s32 $0x2, s5  }
0x8: {  	s10 =	smul.u32 $0x27100, s5;
	s5 =	sadd.s32 $0x1800, s3;
	s11 =	sshrl.u32 s7, $0x1  }
0x9: {  	s22 =	sshrl.u32 s9, $0x2;
	s13 =	sshrl.u32 s6, $0x3;
	s9 =	sadd.s32 $0x138000, s1  }
0xa: {  	s21 =	sadd.s32 $0x1A0, s12;
	s8 =	sadd.s32 s4, s3;
	s4 =	sadd.s32 $0x6800, s3  }
0xb: {  	s3 =	sadd.s32 s10, s3;
	s11 =	ssub.s32 s7, s11;
	s7 =	sadd.s32 s22, s1  }
0xc: {  	s24 =	sadd.s32 s5, s13;
	s25 =	sadd.s32 $0xA, s13;
	s22 =	smul.u32 $0x2700, s15  }
0xd: {  	s23 =	sadd.s32 $0x11800, s7;
	s14 =	sadd.s32 s4, s13;
	[dreg:$0x6] =	wrdreg s24  }
0xe: {  	s13 =	sadd.s32 $0x14, s13;
	s16 =	sadd.s32 s4, s25;
	s17 =	sadd.s32 $0xB800, s8  }
0xf: {  	s18 =	sadd.s32 $0x27C800, s3;
	s19 =	sadd.s32 $0x2800, s7;
	[dreg:$0x4] =	wrdreg s23  }
0x10: {  	s8 =	sshll.u32 s21, $0x4;
	s28 =	sadd.s32 $0x7800, s7;
	[dreg:$0x5] =	wrdreg s14  }
0x11: {  	s29 =	sadd.s32 $0xA000, s7;
	s30 =	sadd.s32 $0xC800, s7;
	[dreg:$0x7] =	wrdreg s16  }
0x12: {  	s31 =	sadd.s32 $0xF000, s7;
	s14 =	sadd.s32 s5, s25;
	[dreg:$0xc] =	wrdreg s19  }
0x13: {  	s26 =	sadd.s32 s4, s13;
	s13 =	sadd.s32 s5, s13;
	[dreg:$0x8] =	wrdreg s14  }
0x14: {  	s16 =	sadd.s32 s0, s10;
	s23 =	sshll.u32 s21, $0x7;
	[dreg:$0x9] =	wrdreg s26  }
0x15: {  	s10 =	sadd.s32 s22, s18;
	s25 =	sadd.s32 s8, s18;
	[dreg:$0xa] =	wrdreg s13  }
0x16: {  	s8 =	simm.s32 $0x50;
	s13 =	smax.u32 s11, $0x1;
	[dreg:$0xd] =	wrdreg s10  }
0x17: {  	s14 =	sadd.s32 $0xD0, s12;
	s11 =	sadd.s32 s23, s1;
	[dreg:$0x10] =	wrdreg s25  }
0x18: {  	s10 =	simm.s32 $0x9;
	s12 =	simm.s32 $0x8;
	[dreg:$0xb] =	wrdreg s13  }
.Ltmp0:
0x19: {  	s20 =	sshll.u32 s14, $0x7;
	s0 =	sshll.u32 s14, $0x4;
	(pc) =	sbr.rel .LBB2_1-.Ltmp0, $4  }
0x1a: {  	s26 =	sshrl.u32 s11, $0x3;
	s11 =	simm.s32 $0x7;
	s13 =	simm.s32 $0x0  }
0x1b: {  	s3 =	sadd.s32 s20, s1;
	s0 =	sadd.s32 s0, s18;
	[dreg:$0x11] =	wrdreg s26  }
0x1c: {  	s26 =	sadd.s32 $0x5000, s7;
	[dreg:$0xe] =	wrdreg s0;
	s24 =	sshrl.u32 s3, $0x3  }
0x1d: {  	v0 =	vimm.f32 $0.0e+00;
	s0 =	simm.s32 $0x14080;
	s3 =	simm.s32 $0x12;
	[dreg:$0xf] =	wrdreg s24  }
.LBB2_10:
0x1e: {  	_ =	swait.ge [sflag:s10], $0x2800  }
0x1f: {  	[sflag:s10] =	ssyncset.done $0x0  }
0x20: {  	[sflag:s10] =	ssyncadd.s32 $0xFFFFD800  }
0x21: {  	_ =	swait.ge [sflag:s11], $0x2800  }
0x22: {  	[sflag:s11] =	ssyncset.done $0x0  }
0x23: {  	[sflag:s11] =	ssyncadd.s32 $0xFFFFD800  }
0x24: {  	_ =	swait.ge [sflag:s12], $0x2800  }
0x25: {  	[sflag:s12] =	ssyncset.done $0x0  }
0x26: {  	s14 =	stileid.u32;
	[sflag:s12] =	ssyncadd.s32 $0xFFFFD800  }
0x27: {  	s14 =	sshll.u32 s14, $0x6;
	[bflag:$0x0] =	sbarrier.arrive $0xFFFF  }
0x28: {  	s15 =	sshrl.u32 s7, $0x3;
	s14 =	sor.u32 $0x1C12, s14;
	s19 =	rddreg [dreg:$0xd]  }
0x29: {  	[hbm:s19], [sflag:s14] =	dma.local [spmem:s15], $0xD00  }
0x2a: {  	_ =	swait.ge [sflag:s3], $0xD00  }
0x2b: {  	[sflag:s3] =	ssyncset.done $0x0;
	s21 =	rddreg [dreg:$0xe]  }
0x2c: {  	s22 =	rddreg [dreg:$0xf];
	[sflag:s3] =	ssyncadd.s32 $0xFFFFF300  }
0x2d: {  	[hbm:s21], [sflag:s14] =	dma.local [spmem:s22], $0xD00  }
0x2e: {  	_ =	swait.ge [sflag:s3], $0xD00  }
0x2f: {  	[sflag:s3] =	ssyncset.done $0x0;
	s23 =	rddreg [dreg:$0x10]  }
0x30: {  	s24 =	rddreg [dreg:$0x11];
	[sflag:s3] =	ssyncadd.s32 $0xFFFFF300  }
0x31: {  	[hbm:s23], [sflag:s14] =	dma.local [spmem:s24], $0xD00  }
0x32: {  	_ =	swait.ge [sflag:s3], $0xD00  }
0x33: {  	s15 =	sshrl.u32 @!p0 s9, $0x3;
	[sflag:s3] =	ssyncset.done $0x0  }
0x34: {  	s19 =	simm.s32 @!p0 $0x1FD2;
	s14 =	sadd.s32 @!p0 $0x27000, s18;
	[sflag:s3] =	ssyncadd.s32 $0xFFFFF300  }
0x35: {  	[hbm:s14], [sflag:s19] =	dma.local @!p0 [spmem:s15], $0x100  }
0x36: {  	s14 =	simm.s32 @!p0 $0x12  }
0x37: {  	_ =	swait.ge @!p0 [sflag:s14], $0x100  }
0x38: {  	s13 =	sadd.s32 $0x1, s13;
	s25 =	rddreg [dreg:$0xb]  }
0x39: {  	p1 =	sne.s32 s13, s25  }
.Ltmp1:
0x3a: {  	_ = 	snop;
	(pc) =	sbr.rel @!p1 .LBB2_11-.Ltmp1, $3  }
0x3b: {  	_ =	sdelay $0x1  }
0x3c: {  	[sflag:s14] =	ssyncset.done @!p0 $0x0  }
0x3d: {  	[sflag:s14] =	ssyncadd.s32 @!p0 $0xFFFFFF00  }
.LBB2_1:
0x3e: {  	s14 =	simm.s32 $0x0;
	s15 =	simm.s32 $0x200  }
.LBB2_2:
0x3f: {  	p1 =	sne.s32 s15, $0x9E00;
	[tilespmem:s14+$0x140F0] =	vst v0  }
0x40: {  	[tilespmem:s14+$0x14080] =	vst v0  }
0x41: {  	[tilespmem:s14+$0x14090] =	vst v0  }
.Ltmp2:
0x42: {  	[tilespmem:s14+$0x140A0] =	vst v0;
	(pc) =	sbr.rel @p1 .LBB2_2-.Ltmp2, $4  }
0x43: {  	[tilespmem:s14+$0x140B0] =	vst v0  }
0x44: {  	[tilespmem:s14+$0x140C0] =	vst v0  }
0x45: {  	[tilespmem:s14+$0x140D0] =	vst v0  }
0x46: {  	[tilespmem:s14+$0x140E0] =	vst v0;
	s14 =	sshra.s32 s15, $0x2;
	s15 =	sadd.s32 $0x200, s15  }
0x47: {  	[tilespmem:s14+$0x140F0] =	vst v0  }
0x48: {  	[tilespmem:s14+$0x14080] =	vst v0  }
0x49: {  	[tilespmem:s14+$0x14090] =	vst v0  }
0x4a: {  	[tilespmem:s14+$0x140A0] =	vst v0  }
0x4b: {  	[tilespmem:s14+$0x140B0] =	vst v0  }
0x4c: {  	[tilespmem:s14+$0x140C0] =	vst v0  }
0x4d: {  	[tilespmem:s14+$0x140D0] =	vst v0  }
0x4e: {  	[tilespmem:s14+$0x140E0] =	vst v0  }
0x4f: {  	[spmem:s7] =	stream.linear.scatter [tilespmem:s0], [sflag:$0x12], $0x2800, $0x38;
	[tilespmem:$0x1F480] =	vst v63  }
0x50: {  	_ =	swait.ge [sflag:s3], $0x2800  }
0x51: {  	[sflag:s3] =	ssyncset.done $0x0  }
0x52: {  	s20 =	rddreg [dreg:$0xc];
	[sflag:s3] =	ssyncadd.s32 $0xFFFFD800  }
0x53: {  	[spmem:s20] =	stream.linear.scatter [tilespmem:s0], [sflag:$0x12], $0x2800, $0x38;
	[tilespmem:$0x1F480] =	vst v63  }
0x54: {  	_ =	swait.ge [sflag:s3], $0x2800  }
0x55: {  	[sflag:s3] =	ssyncset.done $0x0  }
0x56: {  	[sflag:s3] =	ssyncadd.s32 $0xFFFFD800  }
0x57: {  	[spmem:s26] =	stream.linear.scatter [tilespmem:s0], [sflag:$0x12], $0x2800, $0x38;
	[tilespmem:$0x1F480] =	vst v63  }
0x58: {  	_ =	swait.ge [sflag:s3], $0x2800  }
0x59: {  	[sflag:s3] =	ssyncset.done $0x0  }
0x5a: {  	[sflag:s3] =	ssyncadd.s32 $0xFFFFD800  }
0x5b: {  	[spmem:s28] =	stream.linear.scatter [tilespmem:s0], [sflag:$0x12], $0x2800, $0x38;
	[tilespmem:$0x1F480] =	vst v63  }
0x5c: {  	_ =	swait.ge [sflag:s3], $0x2800  }
0x5d: {  	[sflag:s3] =	ssyncset.done $0x0  }
0x5e: {  	[sflag:s3] =	ssyncadd.s32 $0xFFFFD800  }
0x5f: {  	[spmem:s29] =	stream.linear.scatter [tilespmem:s0], [sflag:$0x12], $0x2800, $0x38;
	[tilespmem:$0x1F480] =	vst v63  }
0x60: {  	_ =	swait.ge [sflag:s3], $0x2800  }
0x61: {  	[sflag:s3] =	ssyncset.done $0x0  }
0x62: {  	[sflag:s3] =	ssyncadd.s32 $0xFFFFD800  }
0x63: {  	[spmem:s30] =	stream.linear.scatter [tilespmem:s0], [sflag:$0x12], $0x2800, $0x38;
	[tilespmem:$0x1F480] =	vst v63  }
0x64: {  	_ =	swait.ge [sflag:s3], $0x2800  }
0x65: {  	[sflag:s3] =	ssyncset.done $0x0  }
0x66: {  	[sflag:s3] =	ssyncadd.s32 $0xFFFFD800  }
0x67: {  	[spmem:s31] =	stream.linear.scatter [tilespmem:s0], [sflag:$0x12], $0x2800, $0x38;
	[tilespmem:$0x1F480] =	vst v63  }
0x68: {  	_ =	swait.ge [sflag:s3], $0x2800  }
0x69: {  	[sflag:s3] =	ssyncset.done $0x0  }
0x6a: {  	s21 =	rddreg [dreg:$0x4];
	[sflag:s3] =	ssyncadd.s32 $0xFFFFD800  }
0x6b: {  	[spmem:s21] =	stream.linear.scatter [tilespmem:s0], [sflag:$0x12], $0x2000, $0x38;
	[tilespmem:$0x1F480] =	vst v63  }
0x6c: {  	_ =	swait.ge [sflag:s3], $0x2000  }
0x6d: {  	[sflag:s3] =	ssyncset.done $0x0  }
0x6e: {  	s14 =	simm.s32 @!p0 $0x14080;
	[sflag:s3] =	ssyncadd.s32 $0xFFFFE000  }
0x6f: {  	[spmem:s9] =	stream.linear.scatter @!p0 [tilespmem:s14], [sflag:$0x12], $0x800, $0x38;
	[tilespmem:$0x1F480] =	vst v63  }
0x70: {  	s14 =	simm.s32 @!p0 $0x12  }
0x71: {  	_ =	swait.ge @!p0 [sflag:s14], $0x800  }
0x72: {  	[sflag:s14] =	ssyncset.done @!p0 $0x0  }
0x73: {  	[sflag:s14] =	ssyncadd.s32 @!p0 $0xFFFFF800  }
0x74: {  	[bflag:$0x0] =	sbarrier.arrive $0xFFFF  }
0x75: {  	s19 =	simm.s32 $0x13880;
	s14 =	simm.s32 $0x0;
	s15 =	rddreg [dreg:$0x5]  }
0x76: {  	[tilespmem:s19], [sflag:$0xA] =	stream.linear.gather [hbm4b:s15+s14], $0x50, $0x38;
	[tilespmem:$0x1F480] =	vst v63  }
0x77: {  	s23 =	simm.s32 $0x13C80;
	s22 =	rddreg [dreg:$0x6]  }
0x78: {  	[tilespmem:s23], [sflag:$0xA] =	stream.linear.gather [hbm4b:s22+s14], $0x50, $0x38;
	[tilespmem:$0x1F480] =	vst v63  }
0x79: {  	s25 =	simm.s32 $0x13900;
	s24 =	rddreg [dreg:$0x7]  }
0x7a: {  	[tilespmem:s25], [sflag:$0xB] =	stream.linear.gather [hbm4b:s24+s14], $0x50, $0x38;
	[tilespmem:$0x1F480] =	vst v63  }
0x7b: {  	s21 =	simm.s32 $0x13D00;
	s20 =	rddreg [dreg:$0x8]  }
0x7c: {  	[tilespmem:s21], [sflag:$0xB] =	stream.linear.gather [hbm4b:s20+s14], $0x50, $0x38;
	[tilespmem:$0x1F480] =	vst v63  }
.Ltmp3:
0x7d: {  	_ = 	snop;
	(pc) =	sbr.rel .LBB2_4-.Ltmp3, $4  }
0x7e: {  	s22 =	rddreg [dreg:$0x9];
	s23 =	simm.s32 $0x13980  }
0x7f: {  	[tilespmem:s23], [sflag:$0xC] =	stream.linear.gather [hbm4b:s22+s14], $0x50, $0x38;
	[tilespmem:$0x1F480] =	vst v63  }
0x80: {  	s15 =	simm.s32 $0xFE;
	s24 =	rddreg [dreg:$0xa];
	s25 =	simm.s32 $0x13D80  }
0x81: {  	[tilespmem:s25], [sflag:$0xC] =	stream.linear.gather [hbm4b:s24+s14], $0x50, $0x38;
	[tilespmem:$0x1F480] =	vst v63  }
.LBB2_8:
0x82: {  	p1 =	slt.u32 s14, $0x3  }
0x83: {  	s21 =	smul.u32 $0xAB, s14;
	s19 =	sadd.s32 @!p1 $0xFFFFFFFD, s14  }
0x84: {  	s20 =	sand.u32 @!p1 $0xFF, s19  }
0x85: {  	s22 =	sand.u32 $0x7, s14;
	s21 =	sshrl.u32 s21, $0x9;
	s20 =	smul.u32 @!p1 $0xAB, s20  }
0x86: {  	s23 =	sadd.s32 $0xA, s22;
	s21 =	sand.u32 $0x7F, s21  }
0x87: {  	_ =	swait.ge [sflag:s23], $0x50;
	s21 =	smul.u32 $0x3, s21;
	s20 =	sshrl.u32 @!p1 s20, $0x9  }
0x88: {  	[sflag:s23] =	ssyncset.done $0x0;
	s20 =	smul.u32 @!p1 $0x3, s20  }
0x89: {  	s22 =	sshll.u32 s22, $0x7;
	[sflag:s23] =	ssyncadd.s32 $0xFFFFFFB0  }
0x8a: {  	_ =	swait.ge [sflag:s23], $0x50;
	s24 =	ssub.s32 s14, s21;
	s19 =	ssub.s32 @!p1 s19, s20  }
0x8b: {  	[sflag:s23] =	ssyncset.done $0x0;
	s20 =	sand.u32 $0xFF, s24;
	s19 =	sand.u32 @!p1 $0xFF, s19  }
0x8c: {  	[sflag:s23] =	ssyncadd.s32 $0xFFFFFFB0;
	s25 =	smul.u32 $0xA000, s20;
	s19 =	sadd.s32 @!p1 $0x7, s19  }
0x8d: {  	s22 =	sadd.s32 $0x13880, s22;
	_ =	swait.ge @!p1 [sflag:s19], $0x2800  }
0x8e: {  	s23 =	smul.u32 $0x50, s14;
	s21 =	sshrl.u32 s25, $0x2;
	[sflag:s19] =	ssyncset.done @!p1 $0x0  }
0x8f: {  	s25 =	sadd.s32 $0x1, s20;
	s24 =	sadd.s32 $0x14080, s21;
	[sflag:s19] =	ssyncadd.s32 @!p1 $0xFFFFD800  }
0x90: {  	[tilespmem:s24], [sflag:s25] =	stream.indirect.gather [hbm4b:s16+s8], $0x80, s22, s8, $0xb8;
	[tilespmem:$0x1F480] =	vst v63  }
0x91: {  	s24 =	smul.u32 $0x5000, s20  }
0x92: {  	p1 =	sgt.u32 s14, $0x79;
	s25 =	sadd.s32 s6, s23;
	s20 =	sor.u32 $0x4, s20  }
0x93: {  	s22 =	sadd.s32 @!p1 $0x3, s14;
	s21 =	sshll.u32 s25, $0x3;
	s19 =	sshrl.u32 s24, $0x2  }
0x94: {  	s23 =	smul.u32 @!p1 $0x50, s22;
	s21 =	sadd.s32 s21, s17;
	s19 =	sadd.s32 $0x1B880, s19  }
0x95: {  	[tilespmem:s19], [sflag:s20] =	stream.linear.gather [hbm4b:s21+s2], $0x1400, $0x38;
	[tilespmem:$0x1F480] =	vst v63  }
0x96: {  	s19 =	sand.u32 @!p1 $0x7, s22;
	s20 =	sadd.s32 @!p1 s6, s23  }
0x97: {  	s21 =	sadd.s32 @!p1 $0xA, s19;
	s19 =	sshll.u32 @!p1 s19, $0x7;
	s20 =	sshrl.u32 @!p1 s20, $0x3  }
0x98: {  	s24 =	simm.s32 @!p1 $0x0;
	s22 =	sadd.s32 @!p1 $0x13880, s19;
	s23 =	sadd.s32 @!p1 s4, s20  }
0x99: {  	[tilespmem:s22], [sflag:s21] =	stream.linear.gather @!p1 [hbm4b:s23+s24], $0x50, $0x38;
	[tilespmem:$0x1F480] =	vst v63  }
0x9a: {  	s19 =	sadd.s32 @!p1 $0x13C80, s19;
	s20 =	sadd.s32 @!p1 s5, s20  }
0x9b: {  	[tilespmem:s19], [sflag:s21] =	stream.linear.gather @!p1 [hbm4b:s20+s24], $0x50, $0x38;
	[tilespmem:$0x1F480] =	vst v63  }
.LBB2_9:
0x9c: {  	s14 =	sadd.s32 $0x1, s14  }
0x9d: {  	p1 =	sne.s32 s14, $0x7F  }
.Ltmp4:
0x9e: {  	_ = 	snop;
	(pc) =	sbr.rel @!p1 .LBB2_10-.Ltmp4, $2  }
0x9f: {  	_ =	sdelay $0x2  }
0xa0: {  	s15 =	sadd.s32 $0x1, s15  }
.LBB2_4:
0xa1: {  	p1 =	slt.u32 s14, $0x2  }
.Ltmp5:
0xa2: {  	_ = 	snop;
	(pc) =	sbr.rel @p1 .LBB2_8-.Ltmp5, $1  }
0xa3: {  	_ =	sdelay $0x3  }
0xa4: {  	s19 =	sadd.s32 $0xFFFFFFFE, s14  }
0xa5: {  	s20 =	sand.u32 $0xFF, s19  }
0xa6: {  	s20 =	smul.u32 $0xAB, s20;
	_ =	sdelay $0x1  }
0xa7: {  	s20 =	sshrl.u32 s20, $0x9  }
0xa8: {  	s20 =	smul.u32 $0x3, s20;
	_ =	sdelay $0x1  }
0xa9: {  	s21 =	sand.u32 $0xFF, s15;
	s20 =	ssub.s32 s19, s20  }
0xaa: {  	s22 =	smulhi.u32 $0x55555556, s21;
	s20 =	sand.u32 $0xFF, s20  }
0xab: {  	s23 =	smul.u32 $0x5000, s21;
	s24 =	sadd.s32 $0x1, s20  }
0xac: {  	s21 =	smul.u32 $0xA000, s21;
	_ =	swait.ge [sflag:s24], $0x2800  }
0xad: {  	s25 =	smul.u32 $0xF000, s22;
	[sflag:s24] =	ssyncset.done $0x0  }
0xae: {  	s22 =	smul.u32 $0x1E000, s22;
	[sflag:s24] =	ssyncadd.s32 $0xFFFFD800;
	s24 =	sor.u32 $0x4, s20  }
0xaf: {  	s23 =	ssub.s32 s23, s25;
	_ =	swait.ge [sflag:s24], $0x1400  }
0xb0: {  	s21 =	ssub.s32 s21, s22;
	s23 =	sshra.s32 s23, $0x2;
	[sflag:s24] =	ssyncset.done $0x0  }
0xb1: {  	s21 =	sshra.s32 s21, $0x2;
	s23 =	sadd.s32 $0x1B980, s23;
	[sflag:s24] =	ssyncadd.s32 $0xFFFFEC00  }
0xb2: {  	s21 =	sadd.s32 $0x14280, s21;
	v1 =	vld [tilespmem:s23+$0x80]  }
0xb3: {  	v2 =	vld [tilespmem:s21+$0x100]  }
0xb4: {  	v3 =	vld [tilespmem:s21+$0x140]  }
0xb5: {  	v4 =	vld [tilespmem:s23+$0xFFFFFF80]  }
0xb6: {  	v5 =	vld [tilespmem:s23+$0xFFFFFF00]  }
0xb7: {  	v7 =	vld [tilespmem:s21+$0xFFFFFE00];
	v6 =	vshll.u32 v1, $0x10  }
0xb8: {  	v8 =	vld [tilespmem:s23+$0x0];
	v1 =	vand.u32 $0xFFFF0000, v1;
	v2 =	vadd.f32 v6, v2  }
0xb9: {  	v6 =	vld [tilespmem:s21+$0xFFFFFE40];
	v1 =	vadd.f32 v1, v3  }
0xba: {  	v3 =	vld [tilespmem:s21+$0xFFFFFF00];
	v2 =	vmax.f32 v2, $0.0e+00  }
0xbb: {  	v9 =	vld [tilespmem:s21+$0xFFFFFF40];
	v1 =	vmax.f32 v1, $0.0e+00;
	[tilespmem:s21+$0x100] =	vst v2  }
0xbc: {  	v10 =	vld [tilespmem:s21+$0x0];
	v2 =	vshll.u32 v5, $0x10;
	[tilespmem:s21+$0x140] =	vst v1  }
0xbd: {  	v5 =	vand.u32 $0xFFFF0000, v5;
	v1 =	vadd.f32 v2, v7;
	v2 =	vld [tilespmem:s23+$0x90]  }
0xbe: {  	v7 =	vld [tilespmem:s21+$0x110];
	v5 =	vadd.f32 v5, v6;
	v6 =	vshll.u32 v4, $0x10  }
0xbf: {  	v4 =	vand.u32 $0xFFFF0000, v4;
	v1 =	vmax.f32 v1, $0.0e+00;
	v3 =	vadd.f32 v6, v3;
	v6 =	vld [tilespmem:s21+$0x150]  }
0xc0: {  	v11 =	vld [tilespmem:s21+$0xFFFFFE50];
	v4 =	vadd.f32 v4, v9;
	[tilespmem:s21+$0xFFFFFE00] =	vst v1;
	v1 =	vmax.f32 v5, $0.0e+00  }
0xc1: {  	v5 =	vld [tilespmem:s21+$0x40];
	[tilespmem:s21+$0xFFFFFE40] =	vst v1;
	v1 =	vshll.u32 v8, $0x10;
	v3 =	vmax.f32 v3, $0.0e+00  }
0xc2: {  	v1 =	vadd.f32 v1, v10;
	v10 =	vld [tilespmem:s23+$0xFFFFFF10];
	[tilespmem:s21+$0xFFFFFF00] =	vst v3;
	v3 =	vmax.f32 v4, $0.0e+00;
	v4 =	vshll.u32 v2, $0x10  }
0xc3: {  	v9 =	vld [tilespmem:s21+$0xFFFFFE10];
	v2 =	vand.u32 $0xFFFF0000, v2;
	[tilespmem:s21+$0xFFFFFF40] =	vst v3;
	v3 =	vadd.f32 v4, v7  }
0xc4: {  	v1 =	vmax.f32 v1, $0.0e+00;
	v4 =	vld [tilespmem:s23+$0xFFFFFF90];
	v2 =	vadd.f32 v2, v6  }
0xc5: {  	[tilespmem:s21+$0x0] =	vst v1;
	v1 =	vld [tilespmem:s21+$0xFFFFFF10];
	v3 =	vmax.f32 v3, $0.0e+00  }
0xc6: {  	v7 =	vld [tilespmem:s21+$0xFFFFFF50];
	v6 =	vand.u32 $0xFFFF0000, v8;
	[tilespmem:s21+$0x110] =	vst v3;
	v2 =	vmax.f32 v2, $0.0e+00  }
0xc7: {  	v3 =	vadd.f32 v6, v5;
	v6 =	vld [tilespmem:s21+$0x10];
	v5 =	vshll.u32 v10, $0x10;
	[tilespmem:s21+$0x150] =	vst v2  }
0xc8: {  	v2 =	vand.u32 $0xFFFF0000, v10;
	v5 =	vadd.f32 v5, v9;
	v8 =	vld [tilespmem:s23+$0xA0]  }
0xc9: {  	v10 =	vld [tilespmem:s21+$0x120];
	v3 =	vmax.f32 v3, $0.0e+00;
	v2 =	vadd.f32 v2, v11;
	v9 =	vshll.u32 v4, $0x10  }
0xca: {  	[tilespmem:s21+$0x40] =	vst v3;
	v3 =	vand.u32 $0xFFFF0000, v4;
	v4 =	vmax.f32 v5, $0.0e+00;
	v1 =	vadd.f32 v9, v1;
	v5 =	vld [tilespmem:s21+$0x160]  }
0xcb: {  	v2 =	vmax.f32 v2, $0.0e+00;
	v3 =	vadd.f32 v3, v7;
	[tilespmem:s21+$0xFFFFFE10] =	vst v4;
	v4 =	vld [tilespmem:s23+$0x10]  }
0xcc: {  	v9 =	vld [tilespmem:s21+$0xFFFFFE20];
	[tilespmem:s21+$0xFFFFFE50] =	vst v2;
	v1 =	vmax.f32 v1, $0.0e+00  }
0xcd: {  	v2 =	vld [tilespmem:s21+$0x50];
	[tilespmem:s21+$0xFFFFFF10] =	vst v1;
	v1 =	vmax.f32 v3, $0.0e+00;
	v3 =	vshll.u32 v8, $0x10  }
0xce: {  	v7 =	vld [tilespmem:s23+$0xFFFFFF20];
	[tilespmem:s21+$0xFFFFFF50] =	vst v1;
	v1 =	vand.u32 $0xFFFF0000, v8;
	v3 =	vadd.f32 v3, v10  }
0xcf: {  	v8 =	vld [tilespmem:s23+$0xFFFFFFA0];
	v1 =	vadd.f32 v1, v5  }
0xd0: {  	v5 =	vld [tilespmem:s21+$0xFFFFFE60];
	v10 =	vshll.u32 v4, $0x10;
	v3 =	vmax.f32 v3, $0.0e+00  }
0xd1: {  	v11 =	vld [tilespmem:s21+$0xFFFFFF20];
	v4 =	vand.u32 $0xFFFF0000, v4;
	v6 =	vadd.f32 v10, v6;
	[tilespmem:s21+$0x120] =	vst v3;
	v1 =	vmax.f32 v1, $0.0e+00  }
0xd2: {  	v2 =	vadd.f32 v4, v2;
	v3 =	vld [tilespmem:s21+$0xFFFFFF60];
	[tilespmem:s21+$0x160] =	vst v1  }
0xd3: {  	v1 =	vshll.u32 v7, $0x10;
	v4 =	vmax.f32 v6, $0.0e+00;
	v6 =	vld [tilespmem:s23+$0xB0]  }
0xd4: {  	v7 =	vand.u32 $0xFFFF0000, v7;
	v1 =	vadd.f32 v1, v9;
	v2 =	vmax.f32 v2, $0.0e+00;
	[tilespmem:s21+$0x10] =	vst v4;
	v4 =	vld [tilespmem:s21+$0x130]  }
0xd5: {  	v9 =	vshll.u32 v8, $0x10;
	v5 =	vadd.f32 v7, v5;
	[tilespmem:s21+$0x50] =	vst v2;
	v2 =	vld [tilespmem:s21+$0x170]  }
0xd6: {  	v7 =	vand.u32 $0xFFFF0000, v8;
	v1 =	vmax.f32 v1, $0.0e+00;
	v8 =	vadd.f32 v9, v11;
	v9 =	vld [tilespmem:s23+$0x20]  }
0xd7: {  	[tilespmem:s21+$0xFFFFFE20] =	vst v1;
	v1 =	vmax.f32 v5, $0.0e+00;
	v3 =	vadd.f32 v7, v3;
	v5 =	vld [tilespmem:s21+$0x20]  }
0xd8: {  	v7 =	vld [tilespmem:s21+$0x60];
	[tilespmem:s21+$0xFFFFFE60] =	vst v1;
	v1 =	vmax.f32 v8, $0.0e+00;
	v8 =	vshll.u32 v6, $0x10  }
0xd9: {  	v10 =	vld [tilespmem:s23+$0xFFFFFF30];
	[tilespmem:s21+$0xFFFFFF20] =	vst v1;
	v1 =	vmax.f32 v3, $0.0e+00;
	v3 =	vand.u32 $0xFFFF0000, v6;
	v4 =	vadd.f32 v8, v4  }
0xda: {  	v6 =	vld [tilespmem:s21+$0xFFFFFE30];
	[tilespmem:s21+$0xFFFFFF60] =	vst v1;
	v1 =	vadd.f32 v3, v2  }
0xdb: {  	v2 =	vld [tilespmem:s23+$0xFFFFFFB0];
	v3 =	vshll.u32 v9, $0x10;
	v4 =	vmax.f32 v4, $0.0e+00  }
0xdc: {  	v8 =	vand.u32 $0xFFFF0000, v9;
	v9 =	vld [tilespmem:s21+$0xFFFFFE70];
	v3 =	vadd.f32 v3, v5;
	v1 =	vmax.f32 v1, $0.0e+00;
	[tilespmem:s21+$0x130] =	vst v4  }
0xdd: {  	v5 =	vadd.f32 v8, v7;
	v4 =	vld [tilespmem:s21+$0xFFFFFF30];
	[tilespmem:s21+$0x170] =	vst v1  }
0xde: {  	v1 =	vmax.f32 v3, $0.0e+00;
	v3 =	vld [tilespmem:s23+$0xC0]  }
0xdf: {  	v7 =	vshll.u32 v10, $0x10;
	[tilespmem:s21+$0x20] =	vst v1;
	v1 =	vmax.f32 v5, $0.0e+00;
	v5 =	vld [tilespmem:s21+$0x180]  }
0xe0: {  	v8 =	vand.u32 $0xFFFF0000, v10;
	v6 =	vadd.f32 v7, v6;
	[tilespmem:s21+$0x60] =	vst v1;
	v1 =	vld [tilespmem:s21+$0x1C0]  }
0xe1: {  	v10 =	vld [tilespmem:s21+$0xFFFFFF70];
	v7 =	vadd.f32 v8, v9  }
0xe2: {  	v9 =	vshll.u32 v2, $0x10;
	v8 =	vld [tilespmem:s23+$0x30];
	v6 =	vmax.f32 v6, $0.0e+00  }
0xe3: {  	[tilespmem:s21+$0xFFFFFE30] =	vst v6;
	v4 =	vadd.f32 v9, v4;
	v6 =	vmax.f32 v7, $0.0e+00;
	v7 =	vld [tilespmem:s21+$0x30];
	v9 =	vshll.u32 v3, $0x10  }
0xe4: {  	[tilespmem:s21+$0xFFFFFE70] =	vst v6;
	v6 =	vld [tilespmem:s21+$0x70];
	v3 =	vand.u32 $0xFFFF0000, v3;
	v5 =	vadd.f32 v9, v5  }
0xe5: {  	v11 =	vld [tilespmem:s21+$0xFFFFFEC0];
	v4 =	vmax.f32 v4, $0.0e+00;
	v1 =	vadd.f32 v3, v1  }
0xe6: {  	v2 =	vand.u32 $0xFFFF0000, v2;
	v9 =	vld [tilespmem:s23+$0xFFFFFF40];
	[tilespmem:s21+$0xFFFFFF30] =	vst v4;
	v4 =	vmax.f32 v5, $0.0e+00  }
0xe7: {  	v2 =	vadd.f32 v2, v10;
	v3 =	vld [tilespmem:s21+$0xFFFFFE80];
	v5 =	vshll.u32 v8, $0x10;
	[tilespmem:s21+$0x180] =	vst v4;
	v1 =	vmax.f32 v1, $0.0e+00  }
0xe8: {  	v4 =	vand.u32 $0xFFFF0000, v8;
	v8 =	vld [tilespmem:s21+$0xFFFFFF80];
	v5 =	vadd.f32 v5, v7;
	[tilespmem:s21+$0x1C0] =	vst v1  }
0xe9: {  	v1 =	vmax.f32 v2, $0.0e+00;
	v2 =	vadd.f32 v4, v6;
	v4 =	vld [tilespmem:s23+$0xD0]  }
0xea: {  	[tilespmem:s21+$0xFFFFFF70] =	vst v1;
	v1 =	vmax.f32 v5, $0.0e+00;
	v5 =	vld [tilespmem:s21+$0x190]  }
0xeb: {  	v6 =	vshll.u32 v9, $0x10;
	v7 =	vand.u32 $0xFFFF0000, v9;
	v9 =	vld [tilespmem:s21+$0xFFFFFFC0]  }
0xec: {  	[tilespmem:s21+$0x30] =	vst v1;
	v1 =	vmax.f32 v2, $0.0e+00;
	v2 =	vld [tilespmem:s21+$0x1D0]  }
0xed: {  	v3 =	vadd.f32 v6, v3;
	v6 =	vld [tilespmem:s23+$0xFFFFFFC0]  }
0xee: {  	[tilespmem:s21+$0x70] =	vst v1;
	v1 =	vadd.f32 v7, v11;
	v11 =	vld [tilespmem:s21+$0xFFFFFE90]  }
0xef: {  	v7 =	vld [tilespmem:s23+$0x40];
	v3 =	vmax.f32 v3, $0.0e+00;
	v10 =	vshll.u32 v4, $0x10  }
0xf0: {  	[tilespmem:s21+$0xFFFFFE80] =	vst v3;
	v1 =	vmax.f32 v1, $0.0e+00;
	v3 =	vld [tilespmem:s21+$0x80];
	v4 =	vand.u32 $0xFFFF0000, v4;
	v5 =	vadd.f32 v10, v5  }
0xf1: {  	[tilespmem:s21+$0xFFFFFEC0] =	vst v1;
	v1 =	vld [tilespmem:s21+$0xC0];
	v2 =	vadd.f32 v4, v2  }
0xf2: {  	v4 =	vld [tilespmem:s23+$0xFFFFFF50];
	v10 =	vshll.u32 v6, $0x10;
	v6 =	vand.u32 $0xFFFF0000, v6;
	v5 =	vmax.f32 v5, $0.0e+00  }
0xf3: {  	v6 =	vadd.f32 v6, v9;
	v2 =	vmax.f32 v2, $0.0e+00;
	[tilespmem:s21+$0x190] =	vst v5;
	v5 =	vadd.f32 v10, v8;
	v8 =	vld [tilespmem:s21+$0xFFFFFED0]  }
0xf4: {  	[tilespmem:s21+$0x1D0] =	vst v2;
	v2 =	vshll.u32 v7, $0x10;
	v10 =	vld [tilespmem:s21+$0xFFFFFF90]  }
0xf5: {  	v7 =	vand.u32 $0xFFFF0000, v7;
	v9 =	vld [tilespmem:s23+$0xE0];
	v2 =	vadd.f32 v2, v3;
	v3 =	vmax.f32 v6, $0.0e+00  }
0xf6: {  	v6 =	vld [tilespmem:s21+$0x1A0];
	v1 =	vadd.f32 v7, v1;
	v5 =	vmax.f32 v5, $0.0e+00;
	[tilespmem:s21+$0xFFFFFFC0] =	vst v3  }
0xf7: {  	[tilespmem:s21+$0xFFFFFF80] =	vst v5;
	v5 =	vld [tilespmem:s21+$0x1E0];
	v2 =	vmax.f32 v2, $0.0e+00  }
0xf8: {  	v7 =	vshll.u32 v4, $0x10;
	v1 =	vmax.f32 v1, $0.0e+00;
	v3 =	vld [tilespmem:s23+$0xFFFFFFD0];
	[tilespmem:s21+$0x80] =	vst v2  }
0xf9: {  	v2 =	vand.u32 $0xFFFF0000, v4;
	v4 =	vadd.f32 v7, v11;
	v7 =	vld [tilespmem:s21+$0xFFFFFFD0];
	[tilespmem:s21+$0xC0] =	vst v1  }
0xfa: {  	v1 =	vadd.f32 v2, v8;
	v8 =	vld [tilespmem:s23+$0x50];
	v2 =	vshll.u32 v9, $0x10  }
0xfb: {  	v4 =	vmax.f32 v4, $0.0e+00;
	v9 =	vand.u32 $0xFFFF0000, v9;
	v2 =	vadd.f32 v2, v6;
	v6 =	vld [tilespmem:s21+$0x90]  }
0xfc: {  	[tilespmem:s21+$0xFFFFFE90] =	vst v4;
	v1 =	vmax.f32 v1, $0.0e+00;
	v4 =	vadd.f32 v9, v5;
	v5 =	vld [tilespmem:s21+$0xD0]  }
0xfd: {  	v12 =	vld [tilespmem:s21+$0xFFFFFEF0];
	[tilespmem:s21+$0xFFFFFED0] =	vst v1;
	v9 =	vshll.u32 v3, $0x10;
	v1 =	vmax.f32 v2, $0.0e+00  }
0xfe: {  	v2 =	vand.u32 $0xFFFF0000, v3;
	v3 =	vadd.f32 v9, v10;
	v9 =	vld [tilespmem:s23+$0xFFFFFF60];
	[tilespmem:s21+$0x1A0] =	vst v1;
	v1 =	vmax.f32 v4, $0.0e+00  }
0xff: {  	v2 =	vadd.f32 v2, v7;
	v4 =	vld [tilespmem:s21+$0xFFFFFEA0];
	[tilespmem:s21+$0x1E0] =	vst v1;
	v1 =	vshll.u32 v8, $0x10  }
0x100: {  	v7 =	vand.u32 $0xFFFF0000, v8;
	v8 =	vld [tilespmem:s21+$0xE0];
	v3 =	vmax.f32 v3, $0.0e+00;
	v1 =	vadd.f32 v1, v6  }
0x101: {  	v2 =	vmax.f32 v2, $0.0e+00;
	[tilespmem:s21+$0xFFFFFF90] =	vst v3;
	v3 =	vld [tilespmem:s21+$0xFFFFFEE0];
	v5 =	vadd.f32 v7, v5  }
0x102: {  	[tilespmem:s21+$0xFFFFFFD0] =	vst v2;
	v2 =	vld [tilespmem:s21+$0xFFFFFFA0];
	v1 =	vmax.f32 v1, $0.0e+00  }
0x103: {  	v7 =	vld [tilespmem:s23+$0xFFFFFFE0];
	[tilespmem:s21+$0x90] =	vst v1;
	v1 =	vmax.f32 v5, $0.0e+00  }
0x104: {  	v6 =	vshll.u32 v9, $0x10;
	v5 =	vld [tilespmem:s21+$0xFFFFFFE0];
	[tilespmem:s21+$0xD0] =	vst v1  }
0x105: {  	v4 =	vadd.f32 v6, v4;
	v1 =	vand.u32 $0xFFFF0000, v9;
	v6 =	vld [tilespmem:s23+$0x60]  }
0x106: {  	v1 =	vadd.f32 v1, v3;
	v3 =	vld [tilespmem:s21+$0xA0]  }
0x107: {  	v10 =	vld [tilespmem:s23+$0xF0];
	v4 =	vmax.f32 v4, $0.0e+00  }
0x108: {  	v11 =	vld [tilespmem:s21+$0x1F0];
	[tilespmem:s21+$0xFFFFFEA0] =	vst v4;
	v4 =	vshll.u32 v7, $0x10;
	v1 =	vmax.f32 v1, $0.0e+00  }
0x109: {  	v9 =	vld [tilespmem:s21+$0xFFFFFEB0];
	[tilespmem:s21+$0xFFFFFEE0] =	vst v1;
	v1 =	vadd.f32 v4, v2;
	v2 =	vand.u32 $0xFFFF0000, v7  }
0x10a: {  	v4 =	vadd.f32 v2, v5;
	v5 =	vshll.u32 v6, $0x10;
	v13 =	vld [tilespmem:s23+$0xFFFFFF70]  }
0x10b: {  	v2 =	vld [tilespmem:s21+$0xFFFFFFB0];
	v6 =	vand.u32 $0xFFFF0000, v6;
	v1 =	vmax.f32 v1, $0.0e+00;
	v3 =	vadd.f32 v5, v3  }
0x10c: {  	v5 =	vadd.f32 v6, v8;
	v6 =	vand.u32 $0xFFFF0000, v10;
	[tilespmem:s21+$0xFFFFFFA0] =	vst v1;
	v1 =	vmax.f32 v4, $0.0e+00;
	v4 =	vld [tilespmem:s21+$0xFFFFFFF0]  }
0x10d: {  	v6 =	vadd.f32 v6, v11;
	[tilespmem:s21+$0xFFFFFFE0] =	vst v1;
	v1 =	vmax.f32 v3, $0.0e+00;
	v3 =	vld [tilespmem:s21+$0xB0]  }
0x10e: {  	s25 =	smul.u32 $0xA000, s20;
	[tilespmem:s21+$0xA0] =	vst v1;
	v1 =	vmax.f32 v5, $0.0e+00;
	v7 =	vld [tilespmem:s23+$0xFFFFFFF0]  }
0x10f: {  	v5 =	vld [tilespmem:s21+$0xF0];
	[tilespmem:s21+$0xE0] =	vst v1;
	v1 =	vmax.f32 v6, $0.0e+00;
	v6 =	vshll.u32 v13, $0x10;
	v11 =	vand.u32 $0xFFFF0000, v13  }
0x110: {  	s22 =	sshrl.u32 s25, $0x2;
	s25 =	sadd.s32 $0x200, s23;
	[tilespmem:s21+$0x1F0] =	vst v1;
	v8 =	vld [tilespmem:s23+$0x70];
	v1 =	vshll.u32 v10, $0x10;
	v10 =	vadd.f32 v6, v9;
	v9 =	vadd.f32 v11, v12  }
0x111: {  	s22 =	sadd.s32 $0x14080, s22;
	s24 =	simm.s32 $0x0;
	v6 =	vld [tilespmem:s21+$0x1B0];
	s23 =	smov.u32 s21  }
.LBB2_6:
0x112: {  	v11 =	vld [tilespmem:s25+$0x80];
	v10 =	vmax.f32 v10, $0.0e+00;
	v9 =	vmax.f32 v9, $0.0e+00;
	s21 =	sadd.s32 $0x400, s21  }
0x113: {  	v12 =	vld [tilespmem:s21+$0x100];
	[tilespmem:s23+$0xFFFFFEB0] =	vst v10;
	v10 =	vshll.u32 v7, $0x10;
	v7 =	vand.u32 $0xFFFF0000, v7  }
0x114: {  	v13 =	vld [tilespmem:s21+$0x140];
	[tilespmem:s23+$0xFFFFFEF0] =	vst v9;
	v2 =	vadd.f32 v10, v2;
	v4 =	vadd.f32 v7, v4  }
0x115: {  	v7 =	vld [tilespmem:s25+$0xFFFFFF80];
	v9 =	vshll.u32 v8, $0x10;
	v8 =	vand.u32 $0xFFFF0000, v8  }
0x116: {  	v10 =	vld [tilespmem:s25+$0x0];
	v2 =	vmax.f32 v2, $0.0e+00;
	v3 =	vadd.f32 v9, v3;
	v5 =	vadd.f32 v8, v5  }
0x117: {  	v1 =	vadd.f32 v1, v6;
	v8 =	vld [tilespmem:s25+$0xFFFFFF00];
	v9 =	vshll.u32 v11, $0x10;
	[tilespmem:s23+$0xFFFFFFB0] =	vst v2;
	v2 =	vmax.f32 v4, $0.0e+00  }
0x118: {  	v6 =	vand.u32 $0xFFFF0000, v11;
	v4 =	vld [tilespmem:s21+$0xFFFFFE00];
	v9 =	vadd.f32 v9, v12;
	[tilespmem:s23+$0xFFFFFFF0] =	vst v2;
	v2 =	vmax.f32 v3, $0.0e+00  }
0x119: {  	s24 =	sadd.s32 $0x4, s24;
	v1 =	vmax.f32 v1, $0.0e+00;
	v3 =	vld [tilespmem:s21+$0xFFFFFE40];
	v6 =	vadd.f32 v6, v13;
	[tilespmem:s23+$0xB0] =	vst v2;
	v2 =	vmax.f32 v5, $0.0e+00  }
0x11a: {  	p1 =	slt.u32 s24, $0x24;
	v5 =	vshll.u32 v7, $0x10;
	v7 =	vand.u32 $0xFFFF0000, v7;
	v11 =	vld [tilespmem:s21+$0xFFFFFF00];
	v9 =	vmax.f32 v9, $0.0e+00;
	[tilespmem:s23+$0xF0] =	vst v2  }
0x11b: {  	v2 =	vld [tilespmem:s21+$0xFFFFFF40];
	v12 =	vshll.u32 v10, $0x10;
	v10 =	vand.u32 $0xFFFF0000, v10;
	[tilespmem:s21+$0x100] =	vst v9;
	v6 =	vmax.f32 v6, $0.0e+00  }
0x11c: {  	v9 =	vshll.u32 v8, $0x10;
	v8 =	vand.u32 $0xFFFF0000, v8;
	v13 =	vld [tilespmem:s21+$0x0];
	[tilespmem:s21+$0x140] =	vst v6  }
0x11d: {  	v4 =	vadd.f32 v9, v4;
	v6 =	vld [tilespmem:s25+$0x90];
	[tilespmem:s23+$0x1B0] =	vst v1;
	s23 =	smov.u32 s21  }
0x11e: {  	v1 =	vadd.f32 v8, v3;
	v3 =	vld [tilespmem:s21+$0x110]  }
0x11f: {  	v4 =	vmax.f32 v4, $0.0e+00;
	v5 =	vadd.f32 v5, v11;
	v8 =	vld [tilespmem:s21+$0x150]  }
0x120: {  	[tilespmem:s21+$0xFFFFFE00] =	vst v4;
	v1 =	vmax.f32 v1, $0.0e+00;
	v2 =	vadd.f32 v7, v2;
	v4 =	vld [tilespmem:s21+$0x40]  }
0x121: {  	[tilespmem:s21+$0xFFFFFE40] =	vst v1;
	v1 =	vld [tilespmem:s21+$0xFFFFFE10];
	v5 =	vmax.f32 v5, $0.0e+00;
	v7 =	vadd.f32 v12, v13  }
0x122: {  	v9 =	vld [tilespmem:s25+$0xFFFFFF10];
	[tilespmem:s21+$0xFFFFFF00] =	vst v5;
	v2 =	vmax.f32 v2, $0.0e+00;
	v5 =	vshll.u32 v6, $0x10  }
0x123: {  	v6 =	vand.u32 $0xFFFF0000, v6;
	v11 =	vld [tilespmem:s21+$0xFFFFFE50];
	[tilespmem:s21+$0xFFFFFF40] =	vst v2;
	v2 =	vmax.f32 v7, $0.0e+00;
	v3 =	vadd.f32 v5, v3  }
0x124: {  	v5 =	vld [tilespmem:s25+$0xFFFFFF90];
	[tilespmem:s21+$0x0] =	vst v2;
	v2 =	vadd.f32 v6, v8  }
0x125: {  	v6 =	vld [tilespmem:s21+$0xFFFFFF10];
	v4 =	vadd.f32 v10, v4;
	v3 =	vmax.f32 v3, $0.0e+00  }
0x126: {  	v7 =	vld [tilespmem:s21+$0xFFFFFF50];
	[tilespmem:s21+$0x110] =	vst v3;
	v2 =	vmax.f32 v2, $0.0e+00  }
0x127: {  	v3 =	vshll.u32 v9, $0x10;
	v8 =	vand.u32 $0xFFFF0000, v9;
	v4 =	vmax.f32 v4, $0.0e+00;
	v9 =	vld [tilespmem:s21+$0x10];
	[tilespmem:s21+$0x150] =	vst v2  }
0x128: {  	v1 =	vadd.f32 v3, v1;
	v2 =	vadd.f32 v8, v11;
	[tilespmem:s21+$0x40] =	vst v4;
	v3 =	vld [tilespmem:s25+$0xA0]  }
0x129: {  	v4 =	vshll.u32 v5, $0x10;
	v5 =	vand.u32 $0xFFFF0000, v5;
	v8 =	vld [tilespmem:s21+$0x120]  }
0x12a: {  	v1 =	vmax.f32 v1, $0.0e+00;
	v2 =	vmax.f32 v2, $0.0e+00;
	v4 =	vadd.f32 v4, v6;
	v6 =	vld [tilespmem:s21+$0x160]  }
0x12b: {  	[tilespmem:s21+$0xFFFFFE10] =	vst v1;
	v1 =	vadd.f32 v5, v7;
	v5 =	vld [tilespmem:s25+$0x10]  }
0x12c: {  	[tilespmem:s21+$0xFFFFFE50] =	vst v2;
	v2 =	vmax.f32 v4, $0.0e+00;
	v4 =	vld [tilespmem:s21+$0x50]  }
0x12d: {  	v7 =	vld [tilespmem:s25+$0xFFFFFF20];
	[tilespmem:s21+$0xFFFFFF10] =	vst v2;
	v1 =	vmax.f32 v1, $0.0e+00;
	v2 =	vshll.u32 v3, $0x10  }
0x12e: {  	v10 =	vld [tilespmem:s21+$0xFFFFFE20];
	[tilespmem:s21+$0xFFFFFF50] =	vst v1;
	v1 =	vand.u32 $0xFFFF0000, v3;
	v2 =	vadd.f32 v2, v8  }
0x12f: {  	v3 =	vld [tilespmem:s25+$0xFFFFFFA0];
	v1 =	vadd.f32 v1, v6  }
0x130: {  	v6 =	vld [tilespmem:s21+$0xFFFFFE60];
	v8 =	vshll.u32 v5, $0x10;
	v5 =	vand.u32 $0xFFFF0000, v5;
	v2 =	vmax.f32 v2, $0.0e+00  }
0x131: {  	v11 =	vld [tilespmem:s21+$0xFFFFFF20];
	v8 =	vadd.f32 v8, v9;
	v4 =	vadd.f32 v5, v4;
	[tilespmem:s21+$0x120] =	vst v2;
	v1 =	vmax.f32 v1, $0.0e+00  }
0x132: {  	v2 =	vshll.u32 v7, $0x10;
	v5 =	vand.u32 $0xFFFF0000, v7;
	v7 =	vld [tilespmem:s21+$0xFFFFFF60];
	[tilespmem:s21+$0x160] =	vst v1  }
0x133: {  	v1 =	vadd.f32 v2, v10;
	v2 =	vmax.f32 v8, $0.0e+00;
	v4 =	vmax.f32 v4, $0.0e+00;
	v8 =	vld [tilespmem:s25+$0xB0]  }
0x134: {  	v9 =	vshll.u32 v3, $0x10;
	v3 =	vand.u32 $0xFFFF0000, v3;
	[tilespmem:s21+$0x10] =	vst v2;
	v2 =	vld [tilespmem:s21+$0x130]  }
0x135: {  	v5 =	vadd.f32 v5, v6;
	v1 =	vmax.f32 v1, $0.0e+00;
	[tilespmem:s21+$0x50] =	vst v4;
	v4 =	vld [tilespmem:s21+$0x170]  }
0x136: {  	[tilespmem:s21+$0xFFFFFE20] =	vst v1;
	v1 =	vadd.f32 v9, v11;
	v6 =	vld [tilespmem:s25+$0x20]  }
0x137: {  	v5 =	vmax.f32 v5, $0.0e+00;
	v3 =	vadd.f32 v3, v7;
	v7 =	vld [tilespmem:s21+$0x20]  }
0x138: {  	[tilespmem:s21+$0xFFFFFE60] =	vst v5;
	v1 =	vmax.f32 v1, $0.0e+00;
	v5 =	vld [tilespmem:s21+$0x60];
	v9 =	vshll.u32 v8, $0x10  }
0x139: {  	v10 =	vld [tilespmem:s25+$0xFFFFFF30];
	[tilespmem:s21+$0xFFFFFF20] =	vst v1;
	v1 =	vmax.f32 v3, $0.0e+00;
	v3 =	vand.u32 $0xFFFF0000, v8;
	v2 =	vadd.f32 v9, v2  }
0x13a: {  	v8 =	vld [tilespmem:s21+$0xFFFFFE30];
	[tilespmem:s21+$0xFFFFFF60] =	vst v1;
	v1 =	vadd.f32 v3, v4  }
0x13b: {  	v3 =	vld [tilespmem:s25+$0xFFFFFFB0];
	v4 =	vshll.u32 v6, $0x10;
	v6 =	vand.u32 $0xFFFF0000, v6;
	v2 =	vmax.f32 v2, $0.0e+00  }
0x13c: {  	v9 =	vld [tilespmem:s21+$0xFFFFFE70];
	v4 =	vadd.f32 v4, v7;
	[tilespmem:s21+$0x130] =	vst v2;
	v1 =	vmax.f32 v1, $0.0e+00  }
0x13d: {  	v2 =	vld [tilespmem:s21+$0xFFFFFF30];
	v5 =	vadd.f32 v6, v5;
	[tilespmem:s21+$0x170] =	vst v1  }
0x13e: {  	v1 =	vshll.u32 v10, $0x10;
	v6 =	vand.u32 $0xFFFF0000, v10;
	v4 =	vmax.f32 v4, $0.0e+00;
	v7 =	vld [tilespmem:s25+$0xC0]  }
0x13f: {  	v1 =	vadd.f32 v1, v8;
	[tilespmem:s21+$0x20] =	vst v4;
	v4 =	vmax.f32 v5, $0.0e+00;
	v5 =	vld [tilespmem:s21+$0x180]  }
0x140: {  	v8 =	vshll.u32 v3, $0x10;
	v3 =	vand.u32 $0xFFFF0000, v3;
	[tilespmem:s21+$0x60] =	vst v4;
	v4 =	vld [tilespmem:s21+$0x1C0]  }
0x141: {  	v6 =	vadd.f32 v6, v9;
	v1 =	vmax.f32 v1, $0.0e+00;
	v9 =	vld [tilespmem:s25+$0x30]  }
0x142: {  	[tilespmem:s21+$0xFFFFFE30] =	vst v1;
	v1 =	vadd.f32 v8, v2;
	v2 =	vld [tilespmem:s21+$0xFFFFFF70]  }
0x143: {  	v6 =	vmax.f32 v6, $0.0e+00;
	v8 =	vld [tilespmem:s21+$0x30];
	v10 =	vshll.u32 v7, $0x10  }
0x144: {  	v7 =	vand.u32 $0xFFFF0000, v7;
	[tilespmem:s21+$0xFFFFFE70] =	vst v6;
	v1 =	vmax.f32 v1, $0.0e+00;
	v6 =	vld [tilespmem:s21+$0x70];
	v5 =	vadd.f32 v10, v5  }
0x145: {  	v10 =	vld [tilespmem:s25+$0xFFFFFF40];
	[tilespmem:s21+$0xFFFFFF30] =	vst v1;
	v1 =	vadd.f32 v7, v4  }
0x146: {  	v4 =	vld [tilespmem:s21+$0xFFFFFE80];
	v7 =	vshll.u32 v9, $0x10;
	v9 =	vand.u32 $0xFFFF0000, v9;
	v5 =	vmax.f32 v5, $0.0e+00  }
0x147: {  	v11 =	vld [tilespmem:s21+$0xFFFFFEC0];
	v2 =	vadd.f32 v3, v2;
	[tilespmem:s21+$0x180] =	vst v5;
	v1 =	vmax.f32 v1, $0.0e+00  }
0x148: {  	v3 =	vld [tilespmem:s21+$0xFFFFFF80];
	v5 =	vadd.f32 v7, v8;
	[tilespmem:s21+$0x1C0] =	vst v1  }
0x149: {  	v1 =	vmax.f32 v2, $0.0e+00;
	v2 =	vadd.f32 v9, v6;
	v6 =	vld [tilespmem:s25+$0xD0]  }
0x14a: {  	v7 =	vshll.u32 v10, $0x10;
	v8 =	vand.u32 $0xFFFF0000, v10;
	[tilespmem:s21+$0xFFFFFF70] =	vst v1;
	v1 =	vmax.f32 v5, $0.0e+00;
	v5 =	vld [tilespmem:s21+$0x190]  }
0x14b: {  	v4 =	vadd.f32 v7, v4;
	[tilespmem:s21+$0x30] =	vst v1;
	v1 =	vmax.f32 v2, $0.0e+00;
	v2 =	vld [tilespmem:s21+$0x1D0]  }
0x14c: {  	v7 =	vadd.f32 v8, v11;
	v8 =	vld [tilespmem:s25+$0xFFFFFFC0];
	[tilespmem:s21+$0x70] =	vst v1  }
0x14d: {  	v1 =	vmax.f32 v4, $0.0e+00;
	v4 =	vld [tilespmem:s25+$0x40]  }
0x14e: {  	[tilespmem:s21+$0xFFFFFE80] =	vst v1;
	v1 =	vmax.f32 v7, $0.0e+00;
	v7 =	vld [tilespmem:s21+$0xFFFFFFC0];
	v9 =	vshll.u32 v6, $0x10  }
0x14f: {  	v6 =	vand.u32 $0xFFFF0000, v6;
	[tilespmem:s21+$0xFFFFFEC0] =	vst v1;
	v1 =	vld [tilespmem:s21+$0x80];
	v5 =	vadd.f32 v9, v5  }
0x150: {  	v9 =	vld [tilespmem:s21+$0xC0];
	v2 =	vadd.f32 v6, v2  }
0x151: {  	v6 =	vld [tilespmem:s25+$0xFFFFFF50];
	v10 =	vshll.u32 v8, $0x10;
	v8 =	vand.u32 $0xFFFF0000, v8;
	v5 =	vmax.f32 v5, $0.0e+00  }
0x152: {  	v11 =	vld [tilespmem:s21+$0xFFFFFE90];
	v12 =	vshll.u32 v4, $0x10;
	v4 =	vand.u32 $0xFFFF0000, v4;
	[tilespmem:s21+$0x190] =	vst v5;
	v2 =	vmax.f32 v2, $0.0e+00  }
0x153: {  	v3 =	vadd.f32 v10, v3;
	v5 =	vld [tilespmem:s21+$0xFFFFFED0];
	v7 =	vadd.f32 v8, v7;
	[tilespmem:s21+$0x1D0] =	vst v2  }
0x154: {  	v1 =	vadd.f32 v12, v1;
	v2 =	vld [tilespmem:s25+$0xE0]  }
0x155: {  	v3 =	vmax.f32 v3, $0.0e+00;
	v7 =	vmax.f32 v7, $0.0e+00;
	v4 =	vadd.f32 v4, v9;
	v8 =	vld [tilespmem:s21+$0x1A0]  }
0x156: {  	v9 =	vshll.u32 v6, $0x10;
	v6 =	vand.u32 $0xFFFF0000, v6;
	[tilespmem:s21+$0xFFFFFF80] =	vst v3;
	v1 =	vmax.f32 v1, $0.0e+00;
	v3 =	vld [tilespmem:s21+$0x1E0]  }
0x157: {  	v9 =	vadd.f32 v9, v11;
	[tilespmem:s21+$0xFFFFFFC0] =	vst v7;
	v7 =	vld [tilespmem:s21+$0xFFFFFF90];
	v4 =	vmax.f32 v4, $0.0e+00  }
0x158: {  	v5 =	vadd.f32 v6, v5;
	v6 =	vld [tilespmem:s25+$0xFFFFFFD0];
	[tilespmem:s21+$0x80] =	vst v1  }
0x159: {  	v1 =	vmax.f32 v9, $0.0e+00;
	v9 =	vld [tilespmem:s21+$0xFFFFFFD0];
	[tilespmem:s21+$0xC0] =	vst v4;
	v4 =	vshll.u32 v2, $0x10  }
0x15a: {  	v2 =	vand.u32 $0xFFFF0000, v2;
	[tilespmem:s21+$0xFFFFFE90] =	vst v1;
	v1 =	vmax.f32 v5, $0.0e+00;
	v5 =	vld [tilespmem:s25+$0x50];
	v4 =	vadd.f32 v4, v8  }
0x15b: {  	[tilespmem:s21+$0xFFFFFED0] =	vst v1;
	v1 =	vld [tilespmem:s21+$0x90];
	v2 =	vadd.f32 v2, v3  }
0x15c: {  	v3 =	vld [tilespmem:s21+$0xD0];
	v4 =	vmax.f32 v4, $0.0e+00  }
0x15d: {  	v8 =	vld [tilespmem:s25+$0xFFFFFF60];
	v10 =	vshll.u32 v6, $0x10;
	v6 =	vand.u32 $0xFFFF0000, v6;
	[tilespmem:s21+$0x1A0] =	vst v4;
	v2 =	vmax.f32 v2, $0.0e+00  }
0x15e: {  	v4 =	vld [tilespmem:s21+$0xFFFFFEA0];
	v7 =	vadd.f32 v10, v7;
	v6 =	vadd.f32 v6, v9;
	[tilespmem:s21+$0x1E0] =	vst v2  }
0x15f: {  	v2 =	vshll.u32 v5, $0x10;
	v5 =	vand.u32 $0xFFFF0000, v5;
	v9 =	vld [tilespmem:s25+$0xF0]  }
0x160: {  	v7 =	vmax.f32 v7, $0.0e+00;
	v6 =	vmax.f32 v6, $0.0e+00;
	v1 =	vadd.f32 v2, v1;
	v2 =	vld [tilespmem:s21+$0x1F0]  }
0x161: {  	v10 =	vld [tilespmem:s21+$0xFFFFFEE0];
	[tilespmem:s21+$0xFFFFFF90] =	vst v7;
	v3 =	vadd.f32 v5, v3  }
0x162: {  	v5 =	vshll.u32 v8, $0x10;
	v7 =	vand.u32 $0xFFFF0000, v8;
	[tilespmem:s21+$0xFFFFFFD0] =	vst v6;
	v6 =	vld [tilespmem:s21+$0xFFFFFFA0];
	v1 =	vmax.f32 v1, $0.0e+00  }
0x163: {  	v4 =	vadd.f32 v5, v4;
	v5 =	vld [tilespmem:s25+$0xFFFFFFE0];
	[tilespmem:s21+$0x90] =	vst v1;
	v1 =	vmax.f32 v3, $0.0e+00  }
0x164: {  	v3 =	vld [tilespmem:s21+$0xFFFFFFE0];
	[tilespmem:s21+$0xD0] =	vst v1;
	v1 =	vshll.u32 v9, $0x10;
	v8 =	vand.u32 $0xFFFF0000, v9  }
0x165: {  	v4 =	vmax.f32 v4, $0.0e+00;
	v9 =	vld [tilespmem:s25+$0x60];
	v2 =	vadd.f32 v8, v2  }
0x166: {  	v7 =	vadd.f32 v7, v10;
	[tilespmem:s21+$0xFFFFFEA0] =	vst v4;
	v4 =	vld [tilespmem:s21+$0xA0]  }
0x167: {  	v8 =	vld [tilespmem:s21+$0xE0];
	v2 =	vmax.f32 v2, $0.0e+00  }
0x168: {  	v7 =	vmax.f32 v7, $0.0e+00;
	v10 =	vld [tilespmem:s21+$0xFFFFFEB0];
	v11 =	vshll.u32 v5, $0x10;
	v5 =	vand.u32 $0xFFFF0000, v5;
	[tilespmem:s21+$0x1F0] =	vst v2  }
0x169: {  	[tilespmem:s21+$0xFFFFFEE0] =	vst v7;
	v12 =	vld [tilespmem:s21+$0xFFFFFEF0];
	v2 =	vadd.f32 v11, v6;
	v3 =	vadd.f32 v5, v3  }
0x16a: {  	v5 =	vld [tilespmem:s25+$0xFFFFFF70];
	v6 =	vshll.u32 v9, $0x10;
	v7 =	vand.u32 $0xFFFF0000, v9  }
0x16b: {  	v9 =	vmax.f32 v2, $0.0e+00;
	v3 =	vmax.f32 v3, $0.0e+00;
	v2 =	vld [tilespmem:s21+$0xFFFFFFB0];
	v6 =	vadd.f32 v6, v4  }
0x16c: {  	[tilespmem:s21+$0xFFFFFFA0] =	vst v9;
	v4 =	vld [tilespmem:s21+$0xFFFFFFF0];
	v8 =	vadd.f32 v7, v8  }
.Ltmp6:
0x16d: {  	[tilespmem:s21+$0xFFFFFFE0] =	vst v3;
	v6 =	vmax.f32 v6, $0.0e+00;
	v3 =	vld [tilespmem:s21+$0xB0];
	(pc) =	sbr.rel @p1 .LBB2_6-.Ltmp6, $4  }
0x16e: {  	v7 =	vld [tilespmem:s25+$0xFFFFFFF0];
	[tilespmem:s21+$0xA0] =	vst v6;
	v6 =	vmax.f32 v8, $0.0e+00  }
0x16f: {  	v8 =	vshll.u32 v5, $0x10;
	v9 =	vand.u32 $0xFFFF0000, v5;
	[tilespmem:s21+$0xE0] =	vst v6;
	v5 =	vld [tilespmem:s21+$0xF0]  }
0x170: {  	v10 =	vadd.f32 v8, v10;
	v9 =	vadd.f32 v9, v12;
	v8 =	vld [tilespmem:s25+$0x70]  }
0x171: {  	s25 =	sadd.s32 $0x200, s25;
	v6 =	vld [tilespmem:s21+$0x1B0]  }
0x172: {  	_ = 	snop  }
0x173: {  	v11 =	vshll.u32 v7, $0x10  }
0x174: {  	v10 =	vmax.f32 v10, $0.0e+00;
	v61 =	vand.u32 $0xFFFF0000, v7;
	v2 =	vadd.f32 v11, v2  }
0x175: {  	v9 =	vmax.f32 v9, $0.0e+00;
	[tilespmem:s23+$0xFFFFFEB0] =	vst v10;
	v4 =	vadd.f32 v61, v4;
	v62 =	vshll.u32 v8, $0x10  }
0x176: {  	[tilespmem:s23+$0xFFFFFEF0] =	vst v9;
	v2 =	vmax.f32 v2, $0.0e+00;
	v3 =	vadd.f32 v62, v3  }
0x177: {  	p1 =	sgt.u32 s14, $0x7C;
	v63 =	vand.u32 $0xFFFF0000, v8;
	v1 =	vadd.f32 v1, v6;
	[tilespmem:s23+$0xFFFFFFB0] =	vst v2;
	v2 =	vmax.f32 v4, $0.0e+00  }
.Ltmp7:
0x178: {  	v5 =	vadd.f32 v63, v5;
	[tilespmem:s23+$0xFFFFFFF0] =	vst v2;
	v2 =	vmax.f32 v3, $0.0e+00;
	(pc) =	sbr.rel @p1 .LBB2_9-.Ltmp7, $4  }
.Ltmp8:
0x179: {  	s19 =	sshll.u32 s19, $0x7;
	v1 =	vmax.f32 v1, $0.0e+00;
	[tilespmem:s23+$0xB0] =	vst v2;
	(pc) =	sbr.rel @!p1 .LBB2_8-.Ltmp8, $4  }
0x17a: {  	s19 =	sand.u32 $0x380, s19;
	v2 =	vmax.f32 v5, $0.0e+00;
	[tilespmem:s23+$0x1B0] =	vst v1  }
0x17b: {  	s20 =	sadd.s32 $0x7, s20;
	s19 =	sadd.s32 $0x13C80, s19;
	[tilespmem:s23+$0xF0] =	vst v2  }
0x17c: {  	[spmem:s1] =	stream.indirect.scatter.add.f32 [tilespmem:s22], [sflag:s20], $0x80, s19, s8, $0xb8;
	[tilespmem:$0x1F480] =	vst v63  }
0x17d: {  	_ = 	snop  }
.LBB2_11:
0x17e: {  	_ =	sfence.sel $0x180000  }
0x17f: {  	[bflag:$0x0] =	sbarrier.arrive $0xFFFF  }
0x180: {  	_ =	strace $0x90000047  }
0x181: {  	s0 =	stileid.u32;
	[bflag:$0x2] =	sbarrier.arrive $0xFFFF  }
0x182: {  	p0 =	sne.s32 s0, $0x0;
	s0 =	rddreg [dreg:$0x3]  }
0x183: {  	s0 =	sadd.s32 @!p0 $0x100000, s0  }
0x184: {  	[sflag:s0] =	ssyncadd.tile.s32 @!p0 $0x1;
	_ =	shalt  }
.Lfunc_end2:
_tile_overlayer_lowered:
.L_overlay_start_2:
0x185: {  	(tag) =	ssettag $0x2  }
0x186: {  	s0 =	rddreg [dreg:$0x0];
	s2 =	stileid.u32  }
0x187: {  	s1 =	rddreg [dreg:$0x1];
	p0 =	sne.s32 s2, $0x0  }
0x188: {  	s3 =	rddreg [dreg:$0x2];
	[bflag:$0x3] =	sbarrier.arrive $0xFFFF;
	s2 =	simm.s32 @!p0 $0x1C12  }
0x189: {  	[timem:s3], [sflag:s2] =	dma.local @!p0 [hbm:s0], s1  }
0x18a: {  	s0 =	simm.s32 @!p0 $0x12  }
0x18b: {  	_ =	swait.ge @!p0 [sflag:s0], s1  }
0x18c: {  	s1 =	ssub.s32 @!p0 $0x0, s1;
	[sflag:s0] =	ssyncset.done @!p0 $0x0  }
0x18d: {  	[sflag:s0] =	ssyncadd.s32 @!p0 s1  }
0x18e: {  	[bflag:$0x3] =	sbarrier.arrive $0xFFFF  }
0x18f: {  	_ =	shalt  }

</sc_bundles>
